<compile_context>
chip_gen: v7x
topology: tpu7x:2x2x1
jax: 0.10.2.dev20260603
libtpu: 0.0.44.dev20260713+nightly
codegen_flags: <defaults>
</compile_context>

<pallas_src>
import functools

import jax
import jax.numpy as jnp
from jax import lax
from jax.experimental import pallas as pl
from jax.experimental.pallas import tpu as pltpu
from jax.experimental.pallas import tpu_sc as plsc

N = 16384
D = 256
K = 1024

BN = 1024
GRID = N // BN

_SC_INFO = plsc.get_sparse_core_info()
_NC = _SC_INFO.num_cores
_NS = _SC_INFO.num_subcores
NW = _NC * _NS
B_PER_W = N // NW


def _tc_body(x_ref, e_ref, x2_ref, e2_ref, idx_ref, w_ref):
    i = pl.program_id(0)
    x = x_ref[...]
    e = e_ref[...]
    s = jnp.dot(x, e, preferred_element_type=jnp.float32)
    x2 = x2_ref[...]
    LG = 128
    val = None
    gid = None
    for g in range(K // LG):
        d_g = (x2 - 2.0 * s[:, g * LG:(g + 1) * LG]) \
            + e2_ref[:, g * LG:(g + 1) * LG]
        if val is None:
            val, gid = d_g, jnp.zeros((BN, LG), jnp.int32)
        else:
            lt = d_g < val
            val = jnp.where(lt, d_g, val)
            gid = jnp.where(lt, g, gid)
    m = jnp.min(val, axis=1, keepdims=True)
    kidx = gid * LG + lax.broadcasted_iota(jnp.int32, (BN, LG), 1)
    idx_ref[...] = jnp.min(jnp.where(val == m, kidx, K), axis=1)

    @pl.when(i == 0)
    def _():
        w_ref[...] = e.T


def _encode(x_c, embeddings, x2, e2):
    return pl.pallas_call(
        _tc_body,
        grid=(GRID,),
        in_specs=[
            pl.BlockSpec((BN, D), lambda i: (i, 0)),
            pl.BlockSpec((D, K), lambda i: (0, 0)),
            pl.BlockSpec((BN, 1), lambda i: (i, 0)),
            pl.BlockSpec((1, K), lambda i: (0, 0)),
        ],
        out_specs=[
            pl.BlockSpec((BN,), lambda i: (i,)),
            pl.BlockSpec((K, D), lambda i: (0, 0)),
        ],
        out_shape=[
            jax.ShapeDtypeStruct((N,), jnp.int32),
            jax.ShapeDtypeStruct((K, D), jnp.float32),
        ],
        compiler_params=pltpu.CompilerParams(
            dimension_semantics=("arbitrary",),
        ),
    )(x_c, embeddings, x2, e2)


GCHUNK = 128
NG = B_PER_W // GCHUNK


@functools.partial(
    pl.kernel,
    out_type=jax.ShapeDtypeStruct((N, D), jnp.float32),
    mesh=plsc.VectorSubcoreMesh(core_axis_name="c", subcore_axis_name="s"),
    scratch_types=[
        pltpu.VMEM((B_PER_W,), jnp.int32),
        pltpu.VMEM((GCHUNK, D), jnp.float32),
        pltpu.VMEM((GCHUNK, D), jnp.float32),
        pltpu.VMEM((GCHUNK, D), jnp.float32),
        pltpu.SemaphoreType.DMA,
        pltpu.SemaphoreType.DMA,
        pltpu.SemaphoreType.DMA,
        pltpu.SemaphoreType.DMA,
        pltpu.SemaphoreType.DMA,
        pltpu.SemaphoreType.DMA,
    ],
)
def _gather(w_hbm, idx_hbm, out_hbm, idx_v, rows_a, rows_b, rows_c,
            sga, sgb, sgc, soa, sob, soc):
    wid = lax.axis_index("s") * _NC + lax.axis_index("c")
    base = wid * B_PER_W
    pltpu.sync_copy(idx_hbm.at[pl.ds(base, B_PER_W)], idx_v)
    bufs = [(rows_a, sga, soa), (rows_b, sgb, sob), (rows_c, sgc, soc)]
    NB = len(bufs)

    def start_gather(c):
        rows, sg, _ = bufs[c % NB]
        return pltpu.async_copy(
            w_hbm.at[idx_v.at[pl.ds(c * GCHUNK, GCHUNK)]], rows, sg)

    def start_out(c):
        rows, _, so = bufs[c % NB]
        return pltpu.async_copy(
            rows, out_hbm.at[pl.ds(base + c * GCHUNK, GCHUNK)], so)

    gh = [None] * NG
    oh = [None] * NG
    for c in range(min(NB, NG)):
        gh[c] = start_gather(c)
    for c in range(NG):
        gh[c].wait()
        oh[c] = start_out(c)
        if c + NB < NG:
            oh[c].wait()
            gh[c + NB] = start_gather(c + NB)
    for c in range(max(0, NG - NB), NG):
        oh[c].wait()


def kernel(x, embeddings):
    x2 = jnp.sum(x ** 2, axis=1, keepdims=True)
    e2 = jnp.sum(embeddings ** 2, axis=0, keepdims=True)
    idx, w = _encode(x, embeddings, x2, e2)
    return _gather(w, idx)

# --- scband reference (transcript-rebuilt; emitter-appended) ---
"""Pipeline reference for scband-vq-10831907520890 (READ-ONLY COPY).

The authoritative reference and input builder live on the scoring server;
editing this copy changes nothing except your own understanding.
"""

import jax, jax.numpy as jnp
import numpy as np

D = 256
K = 1024

def setup_inputs(seed: int = 0) -> dict:
    key = jax.random.key(seed)
    kx, ke = jax.random.split(key)
    x = jax.random.normal(kx, (16384, D), dtype=jnp.float32)
    embeddings = jax.random.normal(ke, (D, K), dtype=jnp.float32) * 0.1
    return {"x": x, "embeddings": embeddings}

def reference(x, embeddings):
    # distances[n, k] = ||x_n||^2 - 2 x_n . e_k + ||e_k||^2
    distances = (jnp.sum(x ** 2, axis=1, keepdims=True)
                 - 2.0 * jnp.matmul(x, embeddings)
                 + jnp.sum(embeddings ** 2, axis=0, keepdims=True))
    encoding_indices = jnp.argmax(-distances, axis=1)
    # quantize: lookup rows of embeddings^T
    w = jnp.transpose(embeddings, (1, 0))  # [K, D]
    e_k = jnp.take(w, encoding_indices, axis=0)  # [N, D]
    # straight-through estimator
    quantized = x + jax.lax.stop_gradient(e_k - x)
    return quantized

if __name__ == "__main__":
    import jax
    _d = setup_inputs()
    print(jax.jit(kernel)(*tuple(_d.values())))

</pallas_src>

<mosaic_0001>
#map = affine_map<(d0, d1) -> (0, 0)>
#map1 = affine_map<(d0, d1) -> (0)>
module attributes {stable_mosaic.version = 14 : i64} {
  func.func @_gather(%arg0: i32, %arg1: i32, %arg2: memref<1024x256xf32, #tpu.memory_space<hbm>>, %arg3: memref<16384xi32, #tpu.memory_space<hbm>>, %arg4: memref<16384x256xf32, #tpu.memory_space<hbm>>, %arg5: memref<512xi32, #tpu.memory_space<vmem>>, %arg6: memref<128x256xf32, #tpu.memory_space<vmem>>, %arg7: memref<128x256xf32, #tpu.memory_space<vmem>>, %arg8: memref<128x256xf32, #tpu.memory_space<vmem>>, %arg9: memref<!tpu.dma_semaphore, #tpu.memory_space<semaphore_mem>>, %arg10: memref<!tpu.dma_semaphore, #tpu.memory_space<semaphore_mem>>, %arg11: memref<!tpu.dma_semaphore, #tpu.memory_space<semaphore_mem>>, %arg12: memref<!tpu.dma_semaphore, #tpu.memory_space<semaphore_mem>>, %arg13: memref<!tpu.dma_semaphore, #tpu.memory_space<semaphore_mem>>, %arg14: memref<!tpu.dma_semaphore, #tpu.memory_space<semaphore_mem>>) attributes {dimension_semantics = [#tpu.dimension_semantics<core_parallel>, #tpu.dimension_semantics<subcore_parallel>], iteration_bounds = array<i64: 2, 16>, scalar_prefetch = 0 : i64, scratch_operands = 10 : i64, tpu.core_type = #tpu.core_type<sc_vector_subcore>, window_params = [{transform_indices = #map}, {transform_indices = #map1}, {transform_indices = #map}]} {
    %mul3A = arith.constant 2 : i32
    %mul3A_0 = arith.muli %arg1, %mul3A : i32
    %add3A = arith.addi %mul3A_0, %arg0 : i32
    %mul3A_1 = arith.constant 512 : i32
    %mul3A_2 = arith.muli %add3A, %mul3A_1 : i32
    "tpu.region"() ({
      %run_scoped3A = tpu.sem_alloc : memref<!tpu.dma_semaphore, #tpu.memory_space<semaphore_mem>>
      %dma_start3A_81 = tpu.memref_slice %arg3[%mul3A_2] : memref<16384xi32, #tpu.memory_space<hbm>> -> memref<512xi32, #tpu.memory_space<hbm>>
      %dma_start3A_82 = tpu.memref_slice %arg3[%mul3A_2] : memref<16384xi32, #tpu.memory_space<hbm>> -> memref<512xi32, #tpu.memory_space<hbm>>
      tpu.enqueue_dma source(%dma_start3A_82 : memref<512xi32, #tpu.memory_space<hbm>>) target(%arg5 : memref<512xi32, #tpu.memory_space<vmem>>) target_semaphore(%run_scoped3A : memref<!tpu.dma_semaphore, #tpu.memory_space<semaphore_mem>>)
      %dma_wait3A_83 = tpu.memref_slice %arg3[%mul3A_2] : memref<16384xi32, #tpu.memory_space<hbm>> -> memref<512xi32, #tpu.memory_space<hbm>>
      %dma_wait3A_84 = tpu.memref_slice %arg3[%mul3A_2] : memref<16384xi32, #tpu.memory_space<hbm>> -> memref<512xi32, #tpu.memory_space<hbm>>
      tpu.wait_dma2 semaphore(%run_scoped3A : memref<!tpu.dma_semaphore, #tpu.memory_space<semaphore_mem>>) src(%dma_wait3A_84 : memref<512xi32, #tpu.memory_space<hbm>>) dst(%arg5 : memref<512xi32, #tpu.memory_space<vmem>>)
      tpu.yield
    }) : () -> ()
    %dma_start3A = arith.constant 0 : i32
    %dma_start3A_3 = tpu.memref_slice %arg5[%dma_start3A] : memref<512xi32, #tpu.memory_space<vmem>> -> memref<128xi32, #tpu.memory_space<vmem>>
    %dma_start3A_4 = arith.constant 0 : i32
    %dma_start3A_5 = arith.constant 0 : i32
    %dma_start3A_6 = tpu.memref_slice %arg2[%dma_start3A_4, %dma_start3A_5] : memref<1024x256xf32, #tpu.memory_space<hbm>> -> memref<1024x256xf32, #tpu.memory_space<hbm>>
    tpu.enqueue_indirect_dma source(%dma_start3A_6 : memref<1024x256xf32, #tpu.memory_space<hbm>>) target(%arg6 : memref<128x256xf32, #tpu.memory_space<vmem>>) offsets(%dma_start3A_3 : memref<128xi32, #tpu.memory_space<vmem>>) semaphore(%arg9 : memref<!tpu.dma_semaphore, #tpu.memory_space<semaphore_mem>>)
    %dma_start3A_7 = arith.constant 128 : i32
    %dma_start3A_8 = tpu.memref_slice %arg5[%dma_start3A_7] : memref<512xi32, #tpu.memory_space<vmem>> -> memref<128xi32, #tpu.memory_space<vmem>>
    %dma_start3A_9 = arith.constant 0 : i32
    %dma_start3A_10 = arith.constant 0 : i32
    %dma_start3A_11 = tpu.memref_slice %arg2[%dma_start3A_9, %dma_start3A_10] : memref<1024x256xf32, #tpu.memory_space<hbm>> -> memref<1024x256xf32, #tpu.memory_space<hbm>>
    tpu.enqueue_indirect_dma source(%dma_start3A_11 : memref<1024x256xf32, #tpu.memory_space<hbm>>) target(%arg7 : memref<128x256xf32, #tpu.memory_space<vmem>>) offsets(%dma_start3A_8 : memref<128xi32, #tpu.memory_space<vmem>>) semaphore(%arg10 : memref<!tpu.dma_semaphore, #tpu.memory_space<semaphore_mem>>)
    %dma_start3A_12 = arith.constant 256 : i32
    %dma_start3A_13 = tpu.memref_slice %arg5[%dma_start3A_12] : memref<512xi32, #tpu.memory_space<vmem>> -> memref<128xi32, #tpu.memory_space<vmem>>
    %dma_start3A_14 = arith.constant 0 : i32
    %dma_start3A_15 = arith.constant 0 : i32
    %dma_start3A_16 = tpu.memref_slice %arg2[%dma_start3A_14, %dma_start3A_15] : memref<1024x256xf32, #tpu.memory_space<hbm>> -> memref<1024x256xf32, #tpu.memory_space<hbm>>
    tpu.enqueue_indirect_dma source(%dma_start3A_16 : memref<1024x256xf32, #tpu.memory_space<hbm>>) target(%arg8 : memref<128x256xf32, #tpu.memory_space<vmem>>) offsets(%dma_start3A_13 : memref<128xi32, #tpu.memory_space<vmem>>) semaphore(%arg11 : memref<!tpu.dma_semaphore, #tpu.memory_space<semaphore_mem>>)
    %dma_wait3A = arith.constant 0 : i32
    %dma_wait3A_17 = tpu.memref_slice %arg5[%dma_wait3A] : memref<512xi32, #tpu.memory_space<vmem>> -> memref<128xi32, #tpu.memory_space<vmem>>
    %dma_wait3A_18 = arith.constant 0 : i32
    %dma_wait3A_19 = arith.constant 0 : i32
    %dma_wait3A_20 = tpu.memref_slice %arg2[%dma_wait3A_18, %dma_wait3A_19] : memref<1024x256xf32, #tpu.memory_space<hbm>> -> memref<1024x256xf32, #tpu.memory_space<hbm>>
    tpu.wait_indirect_dma semaphore(%arg9 : memref<!tpu.dma_semaphore, #tpu.memory_space<semaphore_mem>>) src(%dma_wait3A_20 : memref<1024x256xf32, #tpu.memory_space<hbm>>) dst(%arg6 : memref<128x256xf32, #tpu.memory_space<vmem>>)
    %add3A_21 = arith.constant 0 : i32
    %add3A_22 = arith.addi %mul3A_2, %add3A_21 : i32
    %dma_start3A_23 = arith.constant 0 : i32
    %dma_start3A_24 = tpu.memref_slice %arg4[%add3A_22, %dma_start3A_23] : memref<16384x256xf32, #tpu.memory_space<hbm>> -> memref<128x256xf32, #tpu.memory_space<hbm>>
    %dma_start3A_25 = arith.constant 0 : i32
    %dma_start3A_26 = tpu.memref_slice %arg4[%add3A_22, %dma_start3A_25] : memref<16384x256xf32, #tpu.memory_space<hbm>> -> memref<128x256xf32, #tpu.memory_space<hbm>>
    tpu.enqueue_dma source(%arg6 : memref<128x256xf32, #tpu.memory_space<vmem>>) target(%dma_start3A_26 : memref<128x256xf32, #tpu.memory_space<hbm>>) target_semaphore(%arg12 : memref<!tpu.dma_semaphore, #tpu.memory_space<semaphore_mem>>)
    %dma_wait3A_27 = arith.constant 0 : i32
    %dma_wait3A_28 = tpu.memref_slice %arg4[%add3A_22, %dma_wait3A_27] : memref<16384x256xf32, #tpu.memory_space<hbm>> -> memref<128x256xf32, #tpu.memory_space<hbm>>
    %dma_wait3A_29 = arith.constant 0 : i32
    %dma_wait3A_30 = tpu.memref_slice %arg4[%add3A_22, %dma_wait3A_29] : memref<16384x256xf32, #tpu.memory_space<hbm>> -> memref<128x256xf32, #tpu.memory_space<hbm>>
    tpu.wait_dma2 semaphore(%arg12 : memref<!tpu.dma_semaphore, #tpu.memory_space<semaphore_mem>>) src(%arg6 : memref<128x256xf32, #tpu.memory_space<vmem>>) dst(%dma_wait3A_30 : memref<128x256xf32, #tpu.memory_space<hbm>>)
    %dma_start3A_31 = arith.constant 384 : i32
    %dma_start3A_32 = tpu.memref_slice %arg5[%dma_start3A_31] : memref<512xi32, #tpu.memory_space<vmem>> -> memref<128xi32, #tpu.memory_space<vmem>>
    %dma_start3A_33 = arith.constant 0 : i32
    %dma_start3A_34 = arith.constant 0 : i32
    %dma_start3A_35 = tpu.memref_slice %arg2[%dma_start3A_33, %dma_start3A_34] : memref<1024x256xf32, #tpu.memory_space<hbm>> -> memref<1024x256xf32, #tpu.memory_space<hbm>>
    tpu.enqueue_indirect_dma source(%dma_start3A_35 : memref<1024x256xf32, #tpu.memory_space<hbm>>) target(%arg6 : memref<128x256xf32, #tpu.memory_space<vmem>>) offsets(%dma_start3A_32 : memref<128xi32, #tpu.memory_space<vmem>>) semaphore(%arg9 : memref<!tpu.dma_semaphore, #tpu.memory_space<semaphore_mem>>)
    %dma_wait3A_36 = arith.constant 128 : i32
    %dma_wait3A_37 = tpu.memref_slice %arg5[%dma_wait3A_36] : memref<512xi32, #tpu.memory_space<vmem>> -> memref<128xi32, #tpu.memory_space<vmem>>
    %dma_wait3A_38 = arith.constant 0 : i32
    %dma_wait3A_39 = arith.constant 0 : i32
    %dma_wait3A_40 = tpu.memref_slice %arg2[%dma_wait3A_38, %dma_wait3A_39] : memref<1024x256xf32, #tpu.memory_space<hbm>> -> memref<1024x256xf32, #tpu.memory_space<hbm>>
    tpu.wait_indirect_dma semaphore(%arg10 : memref<!tpu.dma_semaphore, #tpu.memory_space<semaphore_mem>>) src(%dma_wait3A_40 : memref<1024x256xf32, #tpu.memory_space<hbm>>) dst(%arg7 : memref<128x256xf32, #tpu.memory_space<vmem>>)
    %add3A_41 = arith.constant 128 : i32
    %add3A_42 = arith.addi %mul3A_2, %add3A_41 : i32
    %dma_start3A_43 = arith.constant 0 : i32
    %dma_start3A_44 = tpu.memref_slice %arg4[%add3A_42, %dma_start3A_43] : memref<16384x256xf32, #tpu.memory_space<hbm>> -> memref<128x256xf32, #tpu.memory_space<hbm>>
    %dma_start3A_45 = arith.constant 0 : i32
    %dma_start3A_46 = tpu.memref_slice %arg4[%add3A_42, %dma_start3A_45] : memref<16384x256xf32, #tpu.memory_space<hbm>> -> memref<128x256xf32, #tpu.memory_space<hbm>>
    tpu.enqueue_dma source(%arg7 : memref<128x256xf32, #tpu.memory_space<vmem>>) target(%dma_start3A_46 : memref<128x256xf32, #tpu.memory_space<hbm>>) target_semaphore(%arg13 : memref<!tpu.dma_semaphore, #tpu.memory_space<semaphore_mem>>)
    %dma_wait3A_47 = arith.constant 256 : i32
    %dma_wait3A_48 = tpu.memref_slice %arg5[%dma_wait3A_47] : memref<512xi32, #tpu.memory_space<vmem>> -> memref<128xi32, #tpu.memory_space<vmem>>
    %dma_wait3A_49 = arith.constant 0 : i32
    %dma_wait3A_50 = arith.constant 0 : i32
    %dma_wait3A_51 = tpu.memref_slice %arg2[%dma_wait3A_49, %dma_wait3A_50] : memref<1024x256xf32, #tpu.memory_space<hbm>> -> memref<1024x256xf32, #tpu.memory_space<hbm>>
    tpu.wait_indirect_dma semaphore(%arg11 : memref<!tpu.dma_semaphore, #tpu.memory_space<semaphore_mem>>) src(%dma_wait3A_51 : memref<1024x256xf32, #tpu.memory_space<hbm>>) dst(%arg8 : memref<128x256xf32, #tpu.memory_space<vmem>>)
    %add3A_52 = arith.constant 256 : i32
    %add3A_53 = arith.addi %mul3A_2, %add3A_52 : i32
    %dma_start3A_54 = arith.constant 0 : i32
    %dma_start3A_55 = tpu.memref_slice %arg4[%add3A_53, %dma_start3A_54] : memref<16384x256xf32, #tpu.memory_space<hbm>> -> memref<128x256xf32, #tpu.memory_space<hbm>>
    %dma_start3A_56 = arith.constant 0 : i32
    %dma_start3A_57 = tpu.memref_slice %arg4[%add3A_53, %dma_start3A_56] : memref<16384x256xf32, #tpu.memory_space<hbm>> -> memref<128x256xf32, #tpu.memory_space<hbm>>
    tpu.enqueue_dma source(%arg8 : memref<128x256xf32, #tpu.memory_space<vmem>>) target(%dma_start3A_57 : memref<128x256xf32, #tpu.memory_space<hbm>>) target_semaphore(%arg14 : memref<!tpu.dma_semaphore, #tpu.memory_space<semaphore_mem>>)
    %dma_wait3A_58 = arith.constant 384 : i32
    %dma_wait3A_59 = tpu.memref_slice %arg5[%dma_wait3A_58] : memref<512xi32, #tpu.memory_space<vmem>> -> memref<128xi32, #tpu.memory_space<vmem>>
    %dma_wait3A_60 = arith.constant 0 : i32
    %dma_wait3A_61 = arith.constant 0 : i32
    %dma_wait3A_62 = tpu.memref_slice %arg2[%dma_wait3A_60, %dma_wait3A_61] : memref<1024x256xf32, #tpu.memory_space<hbm>> -> memref<1024x256xf32, #tpu.memory_space<hbm>>
    tpu.wait_indirect_dma semaphore(%arg9 : memref<!tpu.dma_semaphore, #tpu.memory_space<semaphore_mem>>) src(%dma_wait3A_62 : memref<1024x256xf32, #tpu.memory_space<hbm>>) dst(%arg6 : memref<128x256xf32, #tpu.memory_space<vmem>>)
    %add3A_63 = arith.constant 384 : i32
    %add3A_64 = arith.addi %mul3A_2, %add3A_63 : i32
    %dma_start3A_65 = arith.constant 0 : i32
    %dma_start3A_66 = tpu.memref_slice %arg4[%add3A_64, %dma_start3A_65] : memref<16384x256xf32, #tpu.memory_space<hbm>> -> memref<128x256xf32, #tpu.memory_space<hbm>>
    %dma_start3A_67 = arith.constant 0 : i32
    %dma_start3A_68 = tpu.memref_slice %arg4[%add3A_64, %dma_start3A_67] : memref<16384x256xf32, #tpu.memory_space<hbm>> -> memref<128x256xf32, #tpu.memory_space<hbm>>
    tpu.enqueue_dma source(%arg6 : memref<128x256xf32, #tpu.memory_space<vmem>>) target(%dma_start3A_68 : memref<128x256xf32, #tpu.memory_space<hbm>>) target_semaphore(%arg12 : memref<!tpu.dma_semaphore, #tpu.memory_space<semaphore_mem>>)
    %dma_wait3A_69 = arith.constant 0 : i32
    %dma_wait3A_70 = tpu.memref_slice %arg4[%add3A_42, %dma_wait3A_69] : memref<16384x256xf32, #tpu.memory_space<hbm>> -> memref<128x256xf32, #tpu.memory_space<hbm>>
    %dma_wait3A_71 = arith.constant 0 : i32
    %dma_wait3A_72 = tpu.memref_slice %arg4[%add3A_42, %dma_wait3A_71] : memref<16384x256xf32, #tpu.memory_space<hbm>> -> memref<128x256xf32, #tpu.memory_space<hbm>>
    tpu.wait_dma2 semaphore(%arg13 : memref<!tpu.dma_semaphore, #tpu.memory_space<semaphore_mem>>) src(%arg7 : memref<128x256xf32, #tpu.memory_space<vmem>>) dst(%dma_wait3A_72 : memref<128x256xf32, #tpu.memory_space<hbm>>)
    %dma_wait3A_73 = arith.constant 0 : i32
    %dma_wait3A_74 = tpu.memref_slice %arg4[%add3A_53, %dma_wait3A_73] : memref<16384x256xf32, #tpu.memory_space<hbm>> -> memref<128x256xf32, #tpu.memory_space<hbm>>
    %dma_wait3A_75 = arith.constant 0 : i32
    %dma_wait3A_76 = tpu.memref_slice %arg4[%add3A_53, %dma_wait3A_75] : memref<16384x256xf32, #tpu.memory_space<hbm>> -> memref<128x256xf32, #tpu.memory_space<hbm>>
    tpu.wait_dma2 semaphore(%arg14 : memref<!tpu.dma_semaphore, #tpu.memory_space<semaphore_mem>>) src(%arg8 : memref<128x256xf32, #tpu.memory_space<vmem>>) dst(%dma_wait3A_76 : memref<128x256xf32, #tpu.memory_space<hbm>>)
    %dma_wait3A_77 = arith.constant 0 : i32
    %dma_wait3A_78 = tpu.memref_slice %arg4[%add3A_64, %dma_wait3A_77] : memref<16384x256xf32, #tpu.memory_space<hbm>> -> memref<128x256xf32, #tpu.memory_space<hbm>>
    %dma_wait3A_79 = arith.constant 0 : i32
    %dma_wait3A_80 = tpu.memref_slice %arg4[%add3A_64, %dma_wait3A_79] : memref<16384x256xf32, #tpu.memory_space<hbm>> -> memref<128x256xf32, #tpu.memory_space<hbm>>
    tpu.wait_dma2 semaphore(%arg12 : memref<!tpu.dma_semaphore, #tpu.memory_space<semaphore_mem>>) src(%arg6 : memref<128x256xf32, #tpu.memory_space<vmem>>) dst(%dma_wait3A_80 : memref<128x256xf32, #tpu.memory_space<hbm>>)
    return
  }
}

module attributes {stable_mosaic.version = 14 : i64} {
  func.func @_tc_body(%arg0: i32, %arg1: memref<1024x256xf32, #tpu.memory_space<vmem>>, %arg2: memref<256x1024xf32, #tpu.memory_space<vmem>>, %arg3: memref<1024x1xf32, #tpu.memory_space<vmem>>, %arg4: memref<1x1024xf32, #tpu.memory_space<vmem>>, %arg5: memref<1024xi32, #tpu.memory_space<vmem>>, %arg6: memref<1024x256xf32, #tpu.memory_space<vmem>>) attributes {dimension_semantics = [#tpu.dimension_semantics<arbitrary>], iteration_bounds = array<i64: 16>, scalar_prefetch = 0 : i64, scratch_operands = 0 : i64, tpu.core_type = #tpu.core_type<tc>, window_params = [{transform_indices = @transform_0, window_bounds = array<i64: 1024, 256>}, {pipeline_mode = #tpu.pipeline_mode<synchronous>, transform_indices = @transform_1, window_bounds = array<i64: 256, 1024>}, {transform_indices = @transform_2, window_bounds = array<i64: 1024, 1>}, {pipeline_mode = #tpu.pipeline_mode<synchronous>, transform_indices = @transform_3, window_bounds = array<i64: 1, 1024>}, {transform_indices = @transform_4, window_bounds = array<i64: 1024>}, {pipeline_mode = #tpu.pipeline_mode<synchronous>, transform_indices = @transform_5, window_bounds = array<i64: 1024, 256>}]} {
    %get3A = arith.constant 0 : index
    %get3A_0 = arith.constant 0 : index
    %get3A_1 = vector.load %arg1[%get3A, %get3A_0] : memref<1024x256xf32, #tpu.memory_space<vmem>>, vector<1024x256xf32>
    %get3A_2 = arith.constant 0 : index
    %get3A_3 = arith.constant 0 : index
    %get3A_4 = vector.load %arg2[%get3A_2, %get3A_3] : memref<256x1024xf32, #tpu.memory_space<vmem>>, vector<256x1024xf32>
    %dot_general3A = arith.constant dense<0.000000e+00> : vector<1024x1024xf32>
    %dot_general3A_5 = tpu.matmul %get3A_1, %get3A_4, %dot_general3A {dimension_numbers = #tpu.dot_dimension_numbers<[1], [0], [0], [1], [0, 0, 1, 1], [], []>, transpose_lhs_hint = false} : vector<1024x256xf32>, vector<256x1024xf32>, vector<1024x1024xf32> -> vector<1024x1024xf32>
    %get3A_6 = arith.constant 0 : index
    %get3A_7 = arith.constant 0 : index
    %get3A_8 = vector.load %arg3[%get3A_6, %get3A_7] : memref<1024x1xf32, #tpu.memory_space<vmem>>, vector<1024x1xf32>
    %slice3A = vector.extract_strided_slice %dot_general3A_5 {offsets = [0, 0], sizes = [1024, 128], strides = [1, 1]} : vector<1024x1024xf32> to vector<1024x128xf32>
    %mul3A = arith.constant 2.000000e+00 : f32
    %mul3A_9 = vector.broadcast %mul3A : f32 to vector<1024x128xf32>
    %mul3A_10 = arith.mulf %mul3A_9, %slice3A : vector<1024x128xf32>
    %sub3A = vector.broadcast %get3A_8 : vector<1024x1xf32> to vector<1024x128xf32>
    %sub3A_11 = arith.subf %sub3A, %mul3A_10 : vector<1024x128xf32>
    %get3A_12 = arith.constant 0 : index
    %get3A_13 = arith.constant 0 : index
    %get3A_14 = vector.load %arg4[%get3A_12, %get3A_13] : memref<1x1024xf32, #tpu.memory_space<vmem>>, vector<1x128xf32>
    %add3A = vector.broadcast %get3A_14 : vector<1x128xf32> to vector<1024x128xf32>
    %add3A_15 = arith.addf %sub3A_11, %add3A : vector<1024x128xf32>
    %broadcast_in_dim3A = arith.constant 0 : i32
    %broadcast_in_dim3A_16 = vector.broadcast %broadcast_in_dim3A : i32 to vector<1024x128xi32>
    %slice3A_17 = vector.extract_strided_slice %dot_general3A_5 {offsets = [0, 128], sizes = [1024, 128], strides = [1, 1]} : vector<1024x1024xf32> to vector<1024x128xf32>
    %mul3A_18 = arith.constant 2.000000e+00 : f32
    %mul3A_19 = vector.broadcast %mul3A_18 : f32 to vector<1024x128xf32>
    %mul3A_20 = arith.mulf %mul3A_19, %slice3A_17 : vector<1024x128xf32>
    %sub3A_21 = vector.broadcast %get3A_8 : vector<1024x1xf32> to vector<1024x128xf32>
    %sub3A_22 = arith.subf %sub3A_21, %mul3A_20 : vector<1024x128xf32>
    %get3A_23 = arith.constant 0 : index
    %get3A_24 = arith.constant 128 : index
    %get3A_25 = vector.load %arg4[%get3A_23, %get3A_24] : memref<1x1024xf32, #tpu.memory_space<vmem>>, vector<1x128xf32>
    %add3A_26 = vector.broadcast %get3A_25 : vector<1x128xf32> to vector<1024x128xf32>
    %add3A_27 = arith.addf %sub3A_22, %add3A_26 : vector<1024x128xf32>
    %lt3A = arith.cmpf olt, %add3A_27, %add3A_15 : vector<1024x128xf32>
    %select_n3A = arith.select %lt3A, %add3A_27, %add3A_15 : vector<1024x128xi1>, vector<1024x128xf32>
    %jit3A = arith.constant 1 : i32
    %broadcast_in_dim3A_28 = vector.broadcast %jit3A : i32 to vector<1024x128xi32>
    %select_n3A_29 = arith.select %lt3A, %broadcast_in_dim3A_28, %broadcast_in_dim3A_16 : vector<1024x128xi1>, vector<1024x128xi32>
    %slice3A_30 = vector.extract_strided_slice %dot_general3A_5 {offsets = [0, 256], sizes = [1024, 128], strides = [1, 1]} : vector<1024x1024xf32> to vector<1024x128xf32>
    %mul3A_31 = arith.constant 2.000000e+00 : f32
    %mul3A_32 = vector.broadcast %mul3A_31 : f32 to vector<1024x128xf32>
    %mul3A_33 = arith.mulf %mul3A_32, %slice3A_30 : vector<1024x128xf32>
    %sub3A_34 = vector.broadcast %get3A_8 : vector<1024x1xf32> to vector<1024x128xf32>
    %sub3A_35 = arith.subf %sub3A_34, %mul3A_33 : vector<1024x128xf32>
    %get3A_36 = arith.constant 0 : index
    %get3A_37 = arith.constant 256 : index
    %get3A_38 = vector.load %arg4[%get3A_36, %get3A_37] : memref<1x1024xf32, #tpu.memory_space<vmem>>, vector<1x128xf32>
    %add3A_39 = vector.broadcast %get3A_38 : vector<1x128xf32> to vector<1024x128xf32>
    %add3A_40 = arith.addf %sub3A_35, %add3A_39 : vector<1024x128xf32>
    %lt3A_41 = arith.cmpf olt, %add3A_40, %select_n3A : vector<1024x128xf32>
    %select_n3A_42 = arith.select %lt3A_41, %add3A_40, %select_n3A : vector<1024x128xi1>, vector<1024x128xf32>
    %jit3A_43 = arith.constant 2 : i32
    %broadcast_in_dim3A_44 = vector.broadcast %jit3A_43 : i32 to vector<1024x128xi32>
    %select_n3A_45 = arith.select %lt3A_41, %broadcast_in_dim3A_44, %select_n3A_29 : vector<1024x128xi1>, vector<1024x128xi32>
    %slice3A_46 = vector.extract_strided_slice %dot_general3A_5 {offsets = [0, 384], sizes = [1024, 128], strides = [1, 1]} : vector<1024x1024xf32> to vector<1024x128xf32>
    %mul3A_47 = arith.constant 2.000000e+00 : f32
    %mul3A_48 = vector.broadcast %mul3A_47 : f32 to vector<1024x128xf32>
    %mul3A_49 = arith.mulf %mul3A_48, %slice3A_46 : vector<1024x128xf32>
    %sub3A_50 = vector.broadcast %get3A_8 : vector<1024x1xf32> to vector<1024x128xf32>
    %sub3A_51 = arith.subf %sub3A_50, %mul3A_49 : vector<1024x128xf32>
    %get3A_52 = arith.constant 0 : index
    %get3A_53 = arith.constant 384 : index
    %get3A_54 = vector.load %arg4[%get3A_52, %get3A_53] : memref<1x1024xf32, #tpu.memory_space<vmem>>, vector<1x128xf32>
    %add3A_55 = vector.broadcast %get3A_54 : vector<1x128xf32> to vector<1024x128xf32>
    %add3A_56 = arith.addf %sub3A_51, %add3A_55 : vector<1024x128xf32>
    %lt3A_57 = arith.cmpf olt, %add3A_56, %select_n3A_42 : vector<1024x128xf32>
    %select_n3A_58 = arith.select %lt3A_57, %add3A_56, %select_n3A_42 : vector<1024x128xi1>, vector<1024x128xf32>
    %jit3A_59 = arith.constant 3 : i32
    %broadcast_in_dim3A_60 = vector.broadcast %jit3A_59 : i32 to vector<1024x128xi32>
    %select_n3A_61 = arith.select %lt3A_57, %broadcast_in_dim3A_60, %select_n3A_45 : vector<1024x128xi1>, vector<1024x128xi32>
    %slice3A_62 = vector.extract_strided_slice %dot_general3A_5 {offsets = [0, 512], sizes = [1024, 128], strides = [1, 1]} : vector<1024x1024xf32> to vector<1024x128xf32>
    %mul3A_63 = arith.constant 2.000000e+00 : f32
    %mul3A_64 = vector.broadcast %mul3A_63 : f32 to vector<1024x128xf32>
    %mul3A_65 = arith.mulf %mul3A_64, %slice3A_62 : vector<1024x128xf32>
    %sub3A_66 = vector.broadcast %get3A_8 : vector<1024x1xf32> to vector<1024x128xf32>
    %sub3A_67 = arith.subf %sub3A_66, %mul3A_65 : vector<1024x128xf32>
    %get3A_68 = arith.constant 0 : index
    %get3A_69 = arith.constant 512 : index
    %get3A_70 = vector.load %arg4[%get3A_68, %get3A_69] : memref<1x1024xf32, #tpu.memory_space<vmem>>, vector<1x128xf32>
    %add3A_71 = vector.broadcast %get3A_70 : vector<1x128xf32> to vector<1024x128xf32>
    %add3A_72 = arith.addf %sub3A_67, %add3A_71 : vector<1024x128xf32>
    %lt3A_73 = arith.cmpf olt, %add3A_72, %select_n3A_58 : vector<1024x128xf32>
    %select_n3A_74 = arith.select %lt3A_73, %add3A_72, %select_n3A_58 : vector<1024x128xi1>, vector<1024x128xf32>
    %jit3A_75 = arith.constant 4 : i32
    %broadcast_in_dim3A_76 = vector.broadcast %jit3A_75 : i32 to vector<1024x128xi32>
    %select_n3A_77 = arith.select %lt3A_73, %broadcast_in_dim3A_76, %select_n3A_61 : vector<1024x128xi1>, vector<1024x128xi32>
    %slice3A_78 = vector.extract_strided_slice %dot_general3A_5 {offsets = [0, 640], sizes = [1024, 128], strides = [1, 1]} : vector<1024x1024xf32> to vector<1024x128xf32>
    %mul3A_79 = arith.constant 2.000000e+00 : f32
    %mul3A_80 = vector.broadcast %mul3A_79 : f32 to vector<1024x128xf32>
    %mul3A_81 = arith.mulf %mul3A_80, %slice3A_78 : vector<1024x128xf32>
    %sub3A_82 = vector.broadcast %get3A_8 : vector<1024x1xf32> to vector<1024x128xf32>
    %sub3A_83 = arith.subf %sub3A_82, %mul3A_81 : vector<1024x128xf32>
    %get3A_84 = arith.constant 0 : index
    %get3A_85 = arith.constant 640 : index
    %get3A_86 = vector.load %arg4[%get3A_84, %get3A_85] : memref<1x1024xf32, #tpu.memory_space<vmem>>, vector<1x128xf32>
    %add3A_87 = vector.broadcast %get3A_86 : vector<1x128xf32> to vector<1024x128xf32>
    %add3A_88 = arith.addf %sub3A_83, %add3A_87 : vector<1024x128xf32>
    %lt3A_89 = arith.cmpf olt, %add3A_88, %select_n3A_74 : vector<1024x128xf32>
    %select_n3A_90 = arith.select %lt3A_89, %add3A_88, %select_n3A_74 : vector<1024x128xi1>, vector<1024x128xf32>
    %jit3A_91 = arith.constant 5 : i32
    %broadcast_in_dim3A_92 = vector.broadcast %jit3A_91 : i32 to vector<1024x128xi32>
    %select_n3A_93 = arith.select %lt3A_89, %broadcast_in_dim3A_92, %select_n3A_77 : vector<1024x128xi1>, vector<1024x128xi32>
    %slice3A_94 = vector.extract_strided_slice %dot_general3A_5 {offsets = [0, 768], sizes = [1024, 128], strides = [1, 1]} : vector<1024x1024xf32> to vector<1024x128xf32>
    %mul3A_95 = arith.constant 2.000000e+00 : f32
    %mul3A_96 = vector.broadcast %mul3A_95 : f32 to vector<1024x128xf32>
    %mul3A_97 = arith.mulf %mul3A_96, %slice3A_94 : vector<1024x128xf32>
    %sub3A_98 = vector.broadcast %get3A_8 : vector<1024x1xf32> to vector<1024x128xf32>
    %sub3A_99 = arith.subf %sub3A_98, %mul3A_97 : vector<1024x128xf32>
    %get3A_100 = arith.constant 0 : index
    %get3A_101 = arith.constant 768 : index
    %get3A_102 = vector.load %arg4[%get3A_100, %get3A_101] : memref<1x1024xf32, #tpu.memory_space<vmem>>, vector<1x128xf32>
    %add3A_103 = vector.broadcast %get3A_102 : vector<1x128xf32> to vector<1024x128xf32>
    %add3A_104 = arith.addf %sub3A_99, %add3A_103 : vector<1024x128xf32>
    %lt3A_105 = arith.cmpf olt, %add3A_104, %select_n3A_90 : vector<1024x128xf32>
    %select_n3A_106 = arith.select %lt3A_105, %add3A_104, %select_n3A_90 : vector<1024x128xi1>, vector<1024x128xf32>
    %jit3A_107 = arith.constant 6 : i32
    %broadcast_in_dim3A_108 = vector.broadcast %jit3A_107 : i32 to vector<1024x128xi32>
    %select_n3A_109 = arith.select %lt3A_105, %broadcast_in_dim3A_108, %select_n3A_93 : vector<1024x128xi1>, vector<1024x128xi32>
    %slice3A_110 = vector.extract_strided_slice %dot_general3A_5 {offsets = [0, 896], sizes = [1024, 128], strides = [1, 1]} : vector<1024x1024xf32> to vector<1024x128xf32>
    %mul3A_111 = arith.constant 2.000000e+00 : f32
    %mul3A_112 = vector.broadcast %mul3A_111 : f32 to vector<1024x128xf32>
    %mul3A_113 = arith.mulf %mul3A_112, %slice3A_110 : vector<1024x128xf32>
    %sub3A_114 = vector.broadcast %get3A_8 : vector<1024x1xf32> to vector<1024x128xf32>
    %sub3A_115 = arith.subf %sub3A_114, %mul3A_113 : vector<1024x128xf32>
    %get3A_116 = arith.constant 0 : index
    %get3A_117 = arith.constant 896 : index
    %get3A_118 = vector.load %arg4[%get3A_116, %get3A_117] : memref<1x1024xf32, #tpu.memory_space<vmem>>, vector<1x128xf32>
    %add3A_119 = vector.broadcast %get3A_118 : vector<1x128xf32> to vector<1024x128xf32>
    %add3A_120 = arith.addf %sub3A_115, %add3A_119 : vector<1024x128xf32>
    %lt3A_121 = arith.cmpf olt, %add3A_120, %select_n3A_106 : vector<1024x128xf32>
    %select_n3A_122 = arith.select %lt3A_121, %add3A_120, %select_n3A_106 : vector<1024x128xi1>, vector<1024x128xf32>
    %jit3A_123 = arith.constant 7 : i32
    %broadcast_in_dim3A_124 = vector.broadcast %jit3A_123 : i32 to vector<1024x128xi32>
    %select_n3A_125 = arith.select %lt3A_121, %broadcast_in_dim3A_124, %select_n3A_109 : vector<1024x128xi1>, vector<1024x128xi32>
    %reduce_min3A = arith.constant dense<0x7F800000> : vector<1024xf32>
    %reduce_min3A_126 = vector.multi_reduction <minimumf>, %select_n3A_122, %reduce_min3A [1] : vector<1024x128xf32> to vector<1024xf32>
    %broadcast_in_dim3A_127 = vector.shape_cast %reduce_min3A_126 : vector<1024xf32> to vector<1024x1xf32>
    %mul3A_128 = arith.constant 128 : i32
    %mul3A_129 = vector.broadcast %mul3A_128 : i32 to vector<1024x128xi32>
    %mul3A_130 = arith.muli %select_n3A_125, %mul3A_129 : vector<1024x128xi32>
    %iota3A = tpu.iota {dimensions = array<i32: 1>} : vector<1024x128xi32>
    %add3A_131 = arith.addi %mul3A_130, %iota3A : vector<1024x128xi32>
    %eq3A = vector.broadcast %broadcast_in_dim3A_127 : vector<1024x1xf32> to vector<1024x128xf32>
    %eq3A_132 = arith.cmpf oeq, %select_n3A_122, %eq3A : vector<1024x128xf32>
    %jit3A_133 = arith.constant 1024 : i32
    %broadcast_in_dim3A_134 = vector.broadcast %jit3A_133 : i32 to vector<1024x128xi32>
    %select_n3A_135 = arith.select %eq3A_132, %add3A_131, %broadcast_in_dim3A_134 : vector<1024x128xi1>, vector<1024x128xi32>
    %reduce_min3A_136 = arith.constant dense<2147483647> : vector<1024xi32>
    %reduce_min3A_137 = vector.multi_reduction <minsi>, %select_n3A_135, %reduce_min3A_136 [1] : vector<1024x128xi32> to vector<1024xi32>
    %swap3A = arith.constant 0 : index
    %swap3A_138 = vector.load %arg5[%swap3A] : memref<1024xi32, #tpu.memory_space<vmem>>, vector<1024xi32>
    tpu.vector_store %arg5[%swap3A], %reduce_min3A_137 {strides = array<i32>} : memref<1024xi32, #tpu.memory_space<vmem>>, vector<1024xi32>,
    %eq3A_139 = arith.constant 0 : i32
    %eq3A_140 = arith.cmpi eq, %arg0, %eq3A_139 : i32
    %convert_element_type3A = arith.extui %eq3A_140 : i1 to i32
    %cond3A = arith.constant 0 : i32
    %cond3A_141 = arith.cmpi ne, %convert_element_type3A, %cond3A : i32
    scf.if %cond3A_141 {
      %transpose3A = tpu.transpose %get3A_4, [1, 0] : vector<256x1024xf32> -> vector<1024x256xf32>
      %swap3A_142 = arith.constant 0 : index
      %swap3A_143 = arith.constant 0 : index
      %swap3A_144 = vector.load %arg6[%swap3A_142, %swap3A_143] : memref<1024x256xf32, #tpu.memory_space<vmem>>, vector<1024x256xf32>
      tpu.vector_store %arg6[%swap3A_142, %swap3A_143], %transpose3A {strides = array<i32>} : memref<1024x256xf32, #tpu.memory_space<vmem>>, vector<1024x256xf32>,
    } else {
    }
    return
  }
  func.func @transform_0(%arg0: i32) -> (i32, i32) {
    %c0_i32 = arith.constant 0 : i32
    %c0_i32_0 = arith.constant 0 : i32
    return %arg0, %c0_i32 : i32, i32
  }
  func.func @transform_1(%arg0: i32) -> (i32, i32) {
    %c0_i32 = arith.constant 0 : i32
    %c0_i32_0 = arith.constant 0 : i32
    %c0_i32_1 = arith.constant 0 : i32
    return %c0_i32, %c0_i32_0 : i32, i32
  }
  func.func @transform_2(%arg0: i32) -> (i32, i32) {
    %c0_i32 = arith.constant 0 : i32
    %c0_i32_0 = arith.constant 0 : i32
    return %arg0, %c0_i32 : i32, i32
  }
  func.func @transform_3(%arg0: i32) -> (i32, i32) {
    %c0_i32 = arith.constant 0 : i32
    %c0_i32_0 = arith.constant 0 : i32
    %c0_i32_1 = arith.constant 0 : i32
    return %c0_i32, %c0_i32_0 : i32, i32
  }
  func.func @transform_4(%arg0: i32) -> i32 {
    %c0_i32 = arith.constant 0 : i32
    return %arg0 : i32
  }
  func.func @transform_5(%arg0: i32) -> (i32, i32) {
    %c0_i32 = arith.constant 0 : i32
    %c0_i32_0 = arith.constant 0 : i32
    %c0_i32_1 = arith.constant 0 : i32
    return %c0_i32, %c0_i32_0 : i32, i32
  }
}

</mosaic_0001>

<sc_bundles>
// kernel: kernel.4.cloned.1.call-start
scs
__scs_entry_jumppad:
0x0: {  	(pc) =	sbr.rel $0x88, $3  }
0x1: {  	(tag) =	ssettag $0x0;
	lr =	simm.s32 $0x1  }
0x2: {  	[smem:$0x3F9F] =	sst lr;
	_ =	strace $0xD0000000  }
0x3: {  	_ = 	snop  }
0x4: {  	_ = 	snop  }
0x5: {  	_ = 	snop  }
0x6: {  	_ = 	snop  }
0x7: {  	_ = 	snop  }
__scs_overlays_trampoline_lowered:
0x8: {  	[smem:$0x3FAE] =	sst s0  }
0x9: {  	[smem:$0x3FAF] =	sst s1  }
0xa: {  	[smem:$0x3FB0] =	sst s2  }
0xb: {  	[smem:$0x3FB1] =	sst s3  }
0xc: {  	[smem:$0x3FB2] =	sst s4  }
0xd: {  	[smem:$0x3FB3] =	sst s5  }
0xe: {  	[smem:$0x3FB4] =	sst s6  }
0xf: {  	[smem:$0x3FB5] =	sst s7  }
0x10: {  	[smem:$0x3FB6] =	sst s8  }
0x11: {  	[smem:$0x3FB7] =	sst s9;
	s0 =	simm.s32 @!p0 $0x0  }
0x12: {  	s1 =	sld [smem:$0x3F9D];
	s0 =	simm.s32 @p0 $0x1  }
0x13: {  	[smem:$0x3FB8] =	sst s0;
	s0 =	simm.s32 @!p1 $0x0  }
0x14: {  	s2 =	sld [smem:$0x3F9C];
	s0 =	simm.s32 @p1 $0x1  }
0x15: {  	[smem:$0x3FB9] =	sst s0;
	s0 =	simm.s32 @!p2 $0x0  }
0x16: {  	s3 =	sld [smem:$0x3FDB];
	s0 =	simm.s32 @p2 $0x1  }
0x17: {  	s4 =	simm.s32 $0x1BF5;
	[smem:$0x3FBB] =	sst s0  }
0x18: {  	s0 =	sld [smem:$0x3F9E];
	_ =	swait.ge [sflag:s4], $0x0  }
0x19: {  	s7 =	sld [smem:$0x3F9F]  }
0x1a: {  	s8 =	sadd.s32 $0xFFFFE003, lr  }
0x1b: {  	s9 =	sadd.s32 $0xFFFFFEF7, lr;
	s5 =	simm.s32 $0xFFFFFFFF;
	p2 =	slt.u32 s8, $0xFFFFF086  }
0x1c: {  	p1 =	slt.u32 s9, $0xF7A;
	s5 =	simm.s32 @!p2 $0x0  }
0x1d: {  	s5 =	simm.s32 @p1 $0x1;
	p0 =	seq.s32 s7, s2  }
0x1e: {  	s7 =	smul.u32 @!p0 $0xF7A, s2;
	p2 =	seq.s32 @!p0 s5, $0x0  }
0x1f: {  	s9 =	smul.u32 $0xF7A, s1;
	s8 =	simm.s32 @!p0 $0x1BF5;
	p2 =	por !p2, p0  }
0x20: {  	[sflag:s8] =	ssyncset.s32 @!p0 $0xFFFFF086;
	s6 =	sadd.s32 @!p0 s3, s7;
	s7 =	simm.s32 @!p0 $0x108  }
0x21: {  	s3 =	sadd.s32 s3, s9;
	s6 =	sadd.s32 @!p0 $0x88, s6;
	s7 =	simm.s32 @p2 $0x1082  }
0x22: {  	[simem:s7], [sflag:s8] =	dma.local @!p0 [hbm:s6], $0xF7A  }
0x23: {  	s9 =	sor.u32 $0xD0000000, s2;
	s6 =	simm.s32 $0x108;
	_ =	swait.ge @!p0 [sflag:s8], $0x0  }
0x24: {  	s3 =	sadd.s32 $0x88, s3;
	s6 =	simm.s32 @!p1 $0x1082;
	[sflag:s4] =	ssyncset.s32 $0xFFFFF086  }
0x25: {  	[simem:s6], [sflag:s4] =	dma.local [hbm:s3], $0xF7A  }
0x26: {  	[smem:$0x3F9F] =	sst s1;
	(tag) =	ssettag s2;
	_ =	strace s9  }
0x27: {  	s1 =	sld [smem:$0x3FAF]  }
0x28: {  	s2 =	sld [smem:$0x3FB0]  }
0x29: {  	s4 =	sld [smem:$0x3FB2]  }
0x2a: {  	p0 =	seq.s32 s5, $0x0;
	s5 =	sld [smem:$0x3FB3]  }
0x2b: {  	s6 =	sld [smem:$0x3FB4]  }
0x2c: {  	s7 =	sld [smem:$0x3FB5]  }
0x2d: {  	s3 =	simm.s32 $0x108;
	s8 =	sld [smem:$0x3FB6]  }
0x2e: {  	s3 =	simm.s32 @!p0 $0x1082;
	s9 =	sld [smem:$0x3FB7]  }
0x2f: {  	lr =	sadd.s32 s0, s3;
	s0 =	sld [smem:$0x3FAE]  }
0x30: {  	s3 =	sld [smem:$0x3FB1]  }
0x31: {  	[smem:$0x3FBA] =	sst s10  }
0x32: {  	s10 =	sld [smem:$0x3FB8];
	_ =	sdelay $0x3  }
0x33: {  	p0 =	seq.s32 s10, $0x1;
	s10 =	sld [smem:$0x3FBA];
	_ =	sdelay $0x3  }
0x34: {  	[smem:$0x3FBA] =	sst s10  }
0x35: {  	s10 =	sld [smem:$0x3FB9];
	_ =	sdelay $0x3  }
0x36: {  	p1 =	seq.s32 s10, $0x1;
	s10 =	sld [smem:$0x3FBA];
	_ =	sdelay $0x3  }
0x37: {  	[smem:$0x3FBA] =	sst s10  }
0x38: {  	s10 =	sld [smem:$0x3FBB]  }
0x39: {  	_ = 	snop;
	(pc) =	sbr.ind lr, $3  }
0x3a: {  	_ = 	snop  }
0x3b: {  	_ = 	snop  }
0x3c: {  	p2 =	seq.s32 s10, $0x1;
	s10 =	sld [smem:$0x3FBA]  }
0x3d: {  	_ =	shalt  }
0x3e: {  	_ =	shalt  }
0x3f: {  	_ =	shalt  }
0x40: {  	_ =	shalt  }
0x41: {  	_ =	shalt  }
0x42: {  	_ =	shalt  }
0x43: {  	_ =	shalt  }
0x44: {  	_ =	shalt  }
0x45: {  	_ =	shalt  }
0x46: {  	_ =	shalt  }
0x47: {  	_ =	shalt  }
0x48: {  	_ =	shalt  }
0x49: {  	_ =	shalt  }
0x4a: {  	_ =	shalt  }
0x4b: {  	_ =	shalt  }
0x4c: {  	_ =	shalt  }
0x4d: {  	_ =	shalt  }
0x4e: {  	_ =	shalt  }
0x4f: {  	_ =	shalt  }
0x50: {  	_ =	shalt  }
0x51: {  	_ =	shalt  }
0x52: {  	_ =	shalt  }
0x53: {  	_ =	shalt  }
0x54: {  	_ =	shalt  }
0x55: {  	_ =	shalt  }
0x56: {  	_ =	shalt  }
0x57: {  	_ =	shalt  }
0x58: {  	_ =	shalt  }
0x59: {  	_ =	shalt  }
0x5a: {  	_ =	shalt  }
0x5b: {  	_ =	shalt  }
0x5c: {  	_ =	shalt  }
0x5d: {  	_ =	shalt  }
0x5e: {  	_ =	shalt  }
0x5f: {  	_ =	shalt  }
0x60: {  	_ =	shalt  }
0x61: {  	_ =	shalt  }
0x62: {  	_ =	shalt  }
0x63: {  	_ =	shalt  }
0x64: {  	_ =	shalt  }
0x65: {  	_ =	shalt  }
0x66: {  	_ =	shalt  }
0x67: {  	_ =	shalt  }
0x68: {  	_ =	shalt  }
0x69: {  	_ =	shalt  }
0x6a: {  	_ =	shalt  }
0x6b: {  	_ =	shalt  }
0x6c: {  	_ =	shalt  }
0x6d: {  	_ =	shalt  }
0x6e: {  	_ =	shalt  }
0x6f: {  	_ =	shalt  }
0x70: {  	_ =	shalt  }
0x71: {  	_ =	shalt  }
0x72: {  	_ =	shalt  }
0x73: {  	_ =	shalt  }
0x74: {  	_ =	shalt  }
0x75: {  	_ =	shalt  }
0x76: {  	_ =	shalt  }
0x77: {  	_ =	shalt  }
0x78: {  	_ =	shalt  }
0x79: {  	_ =	shalt  }
0x7a: {  	_ =	shalt  }
0x7b: {  	_ =	shalt  }
0x7c: {  	_ =	shalt  }
0x7d: {  	_ =	shalt  }
0x7e: {  	_ =	shalt  }
0x7f: {  	_ =	shalt  }
0x80: {  	_ =	shalt  }
0x81: {  	_ =	shalt  }
0x82: {  	_ =	shalt  }
0x83: {  	_ =	shalt  }
0x84: {  	_ =	shalt  }
0x85: {  	_ =	shalt  }
0x86: {  	_ =	shalt  }
0x87: {  	_ =	shalt  }
.Lfunc_end0:
.L_simem_size_0:
called_computation_lowered:
.L_overlay_start_0:
0x88: {  	s2 =	sld [smem:$0x3FD9]  }
0x89: {  	s3 =	sld [smem:$0x3FFE];
	_ =	sdelay $0x1  }
0x8a: {  	s1 =	srdreg.scid  }
0x8b: {  	s0 =	sand.u32 $0x1, s1  }
0x8c: {  	s17 =	sshll.u32 s0, $0xA;
	s2 =	sadd.s32 s3, s2  }
0x8d: {  	s2 =	sadd.s32 s2, s17  }
0x8e: {  	[smem:$0x3FC6] =	sst s2  }
0x8f: {  	_ = 	snop  }
0x90: {  	s2 =	sld [smem:$0x3FD0];
	(tm) =	ssettm $0x1  }
0x91: {  	s18 =	sld [smem:$0x3FFB];
	_ =	sdelay $0x3  }
0x92: {  	_ =	strace s18  }
0x93: {  	s3 =	sld [smem:$0x3FFC];
	_ =	sdelay $0x3  }
0x94: {  	_ =	strace s3  }
0x95: {  	s3 =	sld [smem:$0x3FFD];
	_ =	sdelay $0x3  }
0x96: {  	_ =	strace s3  }
0x97: {  	_ =	strace $0x8FFFFFFF  }
0x98: {  	s19 =	sld [smem:$0x3FDB];
	_ =	sdelay $0x1  }
0x99: {  	s4 =	simm.s32 $_scs_section_size  }
0x9a: {  	s5 =	simm.s32 $_size__tile_overlayer_lowered;
	s6 =	simm.s32 $_tile_overlayer_lowered  }
0x9b: {  	s22 =	simm.s32 $0x1BFF;
	s21 =	sshll.u32 s6, $0x1;
	s3 =	sadd.s32 s4, s19  }
0x9c: {  	s7 =	simm.s32 $0x0;
	s20 =	sshll.u32 s5, $0x1;
	s5 =	sadd.s32 s21, s3  }
0x9d: {  	[timem:s7], [sflag:s22] =	dma.local [hbm:s5], s20  }
0x9e: {  	_ =	swait.ge [sflag:s22], s20  }
0x9f: {  	s4 =	ssub.s32 $0x0, s20;
	[sflag:s22] =	ssyncset.done $0x0  }
0xa0: {  	[sflag:s22] =	ssyncadd.s32 s4;
	_ =	sdelay $0x1  }
0xa1: {  	s23 =	simm.s32 $0x1B8B  }
0xa2: {  	_ =	swait.ge [sflag:s23], $0x1  }
0xa3: {  	[sflag:s23] =	ssyncset.done $0x0  }
0xa4: {  	s25 =	simm.s32 $0x1B8E;
	s24 =	sld [smem:$0x3FFE];
	[sflag:s23] =	ssyncadd.s32 $0xFFFFFFFF  }
0xa5: {  	s26 =	simm.s32 $execute0_lowered;
	[smem:$0x3FD2] =	sst s25  }
0xa6: {  	s5 =	sshll.u32 s26, $0x1;
	_ =	strace $0x80000046;
	[dreg:$0x1] =	wrdreg $0xFFFFFFFF  }
0xa7: {  	s28 =	simm.s32 $_size_execute0_lowered;
	s3 =	sadd.s32 s3, s5;
	[dreg:$0x0] =	wrdreg $0x0  }
0xa8: {  	s5 =	sshll.u32 s28, $0x1;
	[dreg:$0x2] =	wrdreg s3  }
0xa9: {  	[dreg:$0x3] =	wrdreg s5  }
0xaa: {  	[dreg:$0x4] =	wrdreg $0xC0  }
0xab: {  	_ =	task [dreg:s7], $0x5FFFF  }
0xac: {  	[dreg:$0x1] =	wrdreg $0xFFFFFFFF  }
0xad: {  	[dreg:$0x0] =	wrdreg $0x60  }
0xae: {  	[dreg:$0x2] =	wrdreg s24  }
0xaf: {  	[dreg:$0x3] =	wrdreg s2  }
0xb0: {  	[dreg:$0x4] =	wrdreg $0x9  }
0xb1: {  	_ =	task.clear_ibuf [dreg:s7], $0x5FFFF;
	_ =	strace $0x90000046  }
0xb2: {  	s29 =	simm.s32 $0x9;
	_ =	strace $0x80000048  }
0xb3: {  	_ =	swait.ge [sflag:s29], $0x1  }
0xb4: {  	[sflag:s29] =	ssyncadd.s32 $0xFFFFFFFF  }
0xb5: {  	_ =	strace $0x90000048  }
0xb6: {  	_ =	sfence  }
0xb7: {  	s30 =	sld [smem:$0x0];
	_ =	sdelay $0x2  }
0xb8: {  	s31 =	sshll.u32 s1, $0xD;
	s1 =	sshrl.u32 s1, $0x2  }
0xb9: {  	s3 =	sand.u32 $0x4000, s31;
	s1 =	sadd.s32 s1, s30  }
0xba: {  	s0 =	sor.u32 s3, s0;
	s1 =	sshll.u32 s1, $0x11  }
0xbb: {  	s0 =	sor.u32 s1, s0  }
0xbc: {  	s0 =	sadd.s32 $0x8F2B, s0  }
0xbd: {  	[sflag:s0] =	ssyncadd.remote.s32 $0x1  }
0xbe: {  	_ =	sfence.sel $0xFFFF  }
0xbf: {  	[dreg:$0x0] =	wrdreg $0xFFFFFFFF;
	(pc) =	sbr.abs _section_cstart, $3  }
0xc0: {  	[dreg:$0x1] =	wrdreg $0xFFFFFFFF  }
0xc1: {  	_ =	task.clear_ibuf [dreg:s7], $0x2FFFF;
	_ =	strace $0x9FFFFFFF  }
0xc2: {  	(tm) =	ssettm $0x7FFFFFFF  }
0xc3: {  	_ =	shalt  }
tec
execute0_lowered:
.L_overlay_start_1:
0x0: {  	(tag) =	ssettag $0x1  }
0x1: {  	s1 =	srdreg.scid  }
0x2: {  	s0 =	stileid.u32;
	s1 =	sand.u32 $0x1, s1  }
0x3: {  	s4 =	rddreg [dreg:$0x0];
	s2 =	sshll.u32 s0, $0xA;
	s3 =	sshll.u32 s1, $0x9  }
0x4: {  	s5 =	rddreg [dreg:$0x1];
	s3 =	sor.u32 s3, s2;
	s2 =	simm.s32 $0x0  }
0x5: {  	s18 =	simm.s32 $0x8A00;
	[smem:$0x7FF] =	sst s2  }
0x6: {  	s19 =	simm.s32 $0x9200;
	_ =	strace $0x80000047;
	[dreg:$0x7] =	wrdreg s18  }
0x7: {  	s20 =	simm.s32 $0x9A00;
	[dreg:$0x8] =	wrdreg s19  }
0x8: {  	s21 =	simm.s32 $0xA200;
	[dreg:$0x9] =	wrdreg s20  }
0x9: {  	s22 =	simm.s32 $0xAA00;
	s23 =	simm.s32 $0xB200;
	[dreg:$0xa] =	wrdreg s21  }
0xa: {  	s24 =	simm.s32 $0xBA00;
	s25 =	simm.s32 $0xC200;
	[dreg:$0xb] =	wrdreg s22  }
0xb: {  	s7 =	simm.s32 $0xD200;
	s8 =	simm.s32 $0xDA00;
	[dreg:$0xc] =	wrdreg s23  }
0xc: {  	s9 =	simm.s32 $0xE200;
	s10 =	simm.s32 $0xEA00;
	[dreg:$0xd] =	wrdreg s24  }
0xd: {  	s11 =	simm.s32 $0xF200;
	s0 =	simm.s32 $0xCA00;
	[dreg:$0xe] =	wrdreg s25  }
0xe: {  	s12 =	simm.s32 $0xFA00;
	s13 =	simm.s32 $0x10A00;
	[dreg:$0xf] =	wrdreg s0  }
0xf: {  	s14 =	simm.s32 $0x11200;
	s15 =	simm.s32 $0x11A00;
	[dreg:$0x10] =	wrdreg s7  }
0x10: {  	s28 =	simm.s32 $0x4;
	s29 =	simm.s32 $0x2;
	[dreg:$0x11] =	wrdreg s8  }
0x11: {  	s30 =	simm.s32 $0x3;
	s1 =	ssub.s32 $0x2, s1;
	[dreg:$0x12] =	wrdreg s9  }
0x12: {  	s31 =	simm.s32 $0x5;
	s26 =	sshrl.u32 s1, $0x1;
	[dreg:$0x13] =	wrdreg s10  }
0x13: {  	s6 =	sshrl.u32 s3, $0x3;
	s3 =	sshll.u32 s3, $0x5;
	[dreg:$0x14] =	wrdreg s11  }
0x14: {  	s1 =	ssub.s32 s1, s26;
	s26 =	simm.s32 $0x17200;
	[dreg:$0x15] =	wrdreg s12  }
0x15: {  	s6 =	sadd.s32 s6, s4;
	s3 =	sadd.s32 s5, s3;
	[dreg:$0x16] =	wrdreg s13  }
0x16: {  	s4 =	sadd.s32 $0x200, s4;
	s7 =	simm.s32 $0x200;
	[dreg:$0x17] =	wrdreg s14  }
0x17: {  	s8 =	simm.s32 $0xA00;
	s9 =	simm.s32 $0x1200;
	[dreg:$0x18] =	wrdreg s15  }
0x18: {  	s10 =	simm.s32 $0x1A00;
	s18 =	simm.s32 $0x13200;
	[smem:$0x7FD] =	sst s26  }
0x19: {  	s11 =	simm.s32 $0x2200;
	s19 =	simm.s32 $0x13A00;
	[dreg:$0x1b] =	wrdreg s18  }
0x1a: {  	s12 =	simm.s32 $0x2A00;
	s20 =	simm.s32 $0x14200;
	[dreg:$0x1c] =	wrdreg s19  }
0x1b: {  	s13 =	simm.s32 $0x3200;
	s21 =	simm.s32 $0x14A00;
	[dreg:$0x1d] =	wrdreg s20  }
0x1c: {  	s14 =	simm.s32 $0x3A00;
	s22 =	simm.s32 $0x15200;
	[dreg:$0x1e] =	wrdreg s21  }
0x1d: {  	s15 =	simm.s32 $0x4200;
	s23 =	simm.s32 $0x15A00;
	[dreg:$0x1f] =	wrdreg s22  }
0x1e: {  	s24 =	simm.s32 $0x16200;
	s25 =	simm.s32 $0x16A00;
	[smem:$0x7FA] =	sst s23  }
0x1f: {  	s26 =	simm.s32 $0x1;
	s6 =	sadd.s32 $0x8200, s6;
	[smem:$0x7FB] =	sst s24  }
0x20: {  	s5 =	sadd.s32 $0x1000, s3;
	s16 =	sadd.s32 $0x2000, s3;
	[smem:$0x7FC] =	sst s25  }
0x21: {  	s17 =	sadd.s32 $0x3000, s3;
	s18 =	simm.s32 $0x5A00;
	[dreg:$0x3] =	wrdreg s6  }
0x22: {  	s19 =	simm.s32 $0x6200;
	s20 =	simm.s32 $0x6A00;
	[dreg:$0x4] =	wrdreg s5  }
0x23: {  	s21 =	simm.s32 $0x7200;
	s22 =	simm.s32 $0x7A00;
	[dreg:$0x5] =	wrdreg s16  }
0x24: {  	s23 =	simm.s32 $0x8200;
	s24 =	simm.s32 $0x10200;
	[dreg:$0x6] =	wrdreg s17  }
0x25: {  	v2 =	vlaneseq.u32;
	s5 =	smax.u32 s1, $0x1;
	s6 =	simm.s32 $0x7;
	s16 =	simm.s32 $0x12200  }
0x26: {  	vm0 =	vmmov $0xffff;
	v1 =	vshrl.u32 v2, $0x3;
	s17 =	simm.s32 $0x12A00;
	s1 =	simm.s32 $0x6;
	[dreg:$0x19] =	wrdreg s16  }
0x27: {  	v0 =	vand.u32 $0x7, v2;
	v2 =	vor.u32 $0x8, v2;
	v1 =	vmul.u32 $0x8, v1;
	[dreg:$0x1a] =	wrdreg s17;
	s16 =	simm.s32 $0x4A00;
	s17 =	simm.s32 $0x5200  }
.LBB2_1:
0x28: {  	s0 =	rddreg [dreg:$0x3]  }
0x29: {  	[tilespmem:s2], [sflag:$0x7] =	stream.linear.gather [hbm4b:s0+s2], $0x200, $0x38;
	[tilespmem:$0x18200] =	vst v63  }
0x2a: {  	_ =	swait.ge [sflag:s6], $0x200  }
0x2b: {  	[sflag:s6] =	ssyncset.done $0x0  }
0x2c: {  	[sflag:s6] =	ssyncadd.s32 $0xFFFFFE00  }
0x2d: {  	v3 =	vld [tilespmem:$0x0];
	_ =	sdelay $0x4  }
0x2e: {  	v4 =	vshll.u32 v3, $0x1  }
0x2f: {  	v3 =	vand.u32 $0x7, v3;
	v4 =	vand.u32 $0xFFFFFFF0, v4  }
0x30: {  	v3 =	vor.u32 v3, v4  }
0x31: {  	v4 =	vperm.xlane v3, v0;
	_ =	sdelay $0x1  }
0x32: {  	v3 =	vperm.xlane v3, v2;
	v4 =	vadd.s32 v1, v4;
	_ =	sdelay $0x1  }
0x33: {  	v3 =	vadd.s32 v1, v3;
	_ =	sdelay $0x2  }
0x34: {  	[tilespmem:s7], [sflag:$0x1] =	stream.indirect_vreg.gather [hbm4b:s4+s2], $0x80, v4, vm0, $0xb8;
	[tilespmem:$0x18200] =	vst v63  }
0x35: {  	_ = 	snop  }
0x36: {  	[tilespmem:s8], [sflag:$0x1] =	stream.indirect_vreg.gather [hbm4b:s4+s2], $0x80, v3, vm0, $0xb8;
	[tilespmem:$0x18200] =	vst v63  }
0x37: {  	v3 =	vld [tilespmem:$0x10];
	_ =	sdelay $0x4  }
0x38: {  	v33 =	vshll.u32 v3, $0x1  }
0x39: {  	v3 =	vand.u32 $0x7, v3;
	v4 =	vand.u32 $0xFFFFFFF0, v33  }
0x3a: {  	v3 =	vor.u32 v3, v4  }
0x3b: {  	v4 =	vperm.xlane v3, v0;
	_ =	sdelay $0x1  }
0x3c: {  	v3 =	vperm.xlane v3, v2;
	v4 =	vadd.s32 v1, v4;
	_ =	sdelay $0x1  }
0x3d: {  	v3 =	vadd.s32 v1, v3;
	_ =	sdelay $0x2  }
0x3e: {  	[tilespmem:s9], [sflag:$0x1] =	stream.indirect_vreg.gather [hbm4b:s4+s2], $0x80, v4, vm0, $0xb8;
	[tilespmem:$0x18200] =	vst v63  }
0x3f: {  	_ = 	snop  }
0x40: {  	[tilespmem:s10], [sflag:$0x1] =	stream.indirect_vreg.gather [hbm4b:s4+s2], $0x80, v3, vm0, $0xb8;
	[tilespmem:$0x18200] =	vst v63  }
0x41: {  	v3 =	vld [tilespmem:$0x20];
	_ =	sdelay $0x4  }
0x42: {  	v34 =	vshll.u32 v3, $0x1  }
0x43: {  	v3 =	vand.u32 $0x7, v3;
	v4 =	vand.u32 $0xFFFFFFF0, v34  }
0x44: {  	v3 =	vor.u32 v3, v4  }
0x45: {  	v4 =	vperm.xlane v3, v0;
	_ =	sdelay $0x1  }
0x46: {  	v3 =	vperm.xlane v3, v2;
	v4 =	vadd.s32 v1, v4;
	_ =	sdelay $0x1  }
0x47: {  	v3 =	vadd.s32 v1, v3;
	_ =	sdelay $0x2  }
0x48: {  	[tilespmem:s11], [sflag:$0x1] =	stream.indirect_vreg.gather [hbm4b:s4+s2], $0x80, v4, vm0, $0xb8;
	[tilespmem:$0x18200] =	vst v63  }
0x49: {  	_ = 	snop  }
0x4a: {  	[tilespmem:s12], [sflag:$0x1] =	stream.indirect_vreg.gather [hbm4b:s4+s2], $0x80, v3, vm0, $0xb8;
	[tilespmem:$0x18200] =	vst v63  }
0x4b: {  	v3 =	vld [tilespmem:$0x30];
	_ =	sdelay $0x4  }
0x4c: {  	v35 =	vshll.u32 v3, $0x1  }
0x4d: {  	v3 =	vand.u32 $0x7, v3;
	v4 =	vand.u32 $0xFFFFFFF0, v35  }
0x4e: {  	v3 =	vor.u32 v3, v4  }
0x4f: {  	v4 =	vperm.xlane v3, v0;
	_ =	sdelay $0x1  }
0x50: {  	v3 =	vperm.xlane v3, v2;
	v4 =	vadd.s32 v1, v4;
	_ =	sdelay $0x1  }
0x51: {  	v3 =	vadd.s32 v1, v3;
	_ =	sdelay $0x2  }
0x52: {  	[tilespmem:s13], [sflag:$0x1] =	stream.indirect_vreg.gather [hbm4b:s4+s2], $0x80, v4, vm0, $0xb8;
	[tilespmem:$0x18200] =	vst v63  }
0x53: {  	_ = 	snop  }
0x54: {  	[tilespmem:s14], [sflag:$0x1] =	stream.indirect_vreg.gather [hbm4b:s4+s2], $0x80, v3, vm0, $0xb8;
	[tilespmem:$0x18200] =	vst v63  }
0x55: {  	v3 =	vld [tilespmem:$0x40];
	_ =	sdelay $0x4  }
0x56: {  	v36 =	vshll.u32 v3, $0x1  }
0x57: {  	v3 =	vand.u32 $0x7, v3;
	v4 =	vand.u32 $0xFFFFFFF0, v36  }
0x58: {  	v3 =	vor.u32 v3, v4  }
0x59: {  	v4 =	vperm.xlane v3, v0;
	_ =	sdelay $0x1  }
0x5a: {  	v3 =	vperm.xlane v3, v2;
	v4 =	vadd.s32 v1, v4;
	_ =	sdelay $0x1  }
0x5b: {  	v3 =	vadd.s32 v1, v3;
	_ =	sdelay $0x2  }
0x5c: {  	[tilespmem:s15], [sflag:$0x1] =	stream.indirect_vreg.gather [hbm4b:s4+s2], $0x80, v4, vm0, $0xb8;
	[tilespmem:$0x18200] =	vst v63  }
0x5d: {  	_ = 	snop  }
0x5e: {  	[tilespmem:s16], [sflag:$0x1] =	stream.indirect_vreg.gather [hbm4b:s4+s2], $0x80, v3, vm0, $0xb8;
	[tilespmem:$0x18200] =	vst v63  }
0x5f: {  	v3 =	vld [tilespmem:$0x50];
	_ =	sdelay $0x4  }
0x60: {  	v37 =	vshll.u32 v3, $0x1  }
0x61: {  	v3 =	vand.u32 $0x7, v3;
	v4 =	vand.u32 $0xFFFFFFF0, v37  }
0x62: {  	v3 =	vor.u32 v3, v4  }
0x63: {  	v4 =	vperm.xlane v3, v0;
	_ =	sdelay $0x1  }
0x64: {  	v3 =	vperm.xlane v3, v2;
	v4 =	vadd.s32 v1, v4;
	_ =	sdelay $0x1  }
0x65: {  	v3 =	vadd.s32 v1, v3;
	_ =	sdelay $0x2  }
0x66: {  	[tilespmem:s17], [sflag:$0x1] =	stream.indirect_vreg.gather [hbm4b:s4+s2], $0x80, v4, vm0, $0xb8;
	[tilespmem:$0x18200] =	vst v63  }
0x67: {  	_ = 	snop  }
0x68: {  	[tilespmem:s18], [sflag:$0x1] =	stream.indirect_vreg.gather [hbm4b:s4+s2], $0x80, v3, vm0, $0xb8;
	[tilespmem:$0x18200] =	vst v63  }
0x69: {  	v3 =	vld [tilespmem:$0x60];
	_ =	sdelay $0x4  }
0x6a: {  	v38 =	vshll.u32 v3, $0x1  }
0x6b: {  	v3 =	vand.u32 $0x7, v3;
	v4 =	vand.u32 $0xFFFFFFF0, v38  }
0x6c: {  	v3 =	vor.u32 v3, v4  }
0x6d: {  	v4 =	vperm.xlane v3, v0;
	_ =	sdelay $0x1  }
0x6e: {  	v3 =	vperm.xlane v3, v2;
	v4 =	vadd.s32 v1, v4;
	_ =	sdelay $0x1  }
0x6f: {  	v3 =	vadd.s32 v1, v3;
	_ =	sdelay $0x2  }
0x70: {  	[tilespmem:s19], [sflag:$0x1] =	stream.indirect_vreg.gather [hbm4b:s4+s2], $0x80, v4, vm0, $0xb8;
	[tilespmem:$0x18200] =	vst v63  }
0x71: {  	_ = 	snop  }
0x72: {  	[tilespmem:s20], [sflag:$0x1] =	stream.indirect_vreg.gather [hbm4b:s4+s2], $0x80, v3, vm0, $0xb8;
	[tilespmem:$0x18200] =	vst v63  }
0x73: {  	v3 =	vld [tilespmem:$0x70];
	_ =	sdelay $0x4  }
0x74: {  	v39 =	vshll.u32 v3, $0x1  }
0x75: {  	v3 =	vand.u32 $0x7, v3;
	v4 =	vand.u32 $0xFFFFFFF0, v39  }
0x76: {  	v3 =	vor.u32 v3, v4  }
0x77: {  	v4 =	vperm.xlane v3, v0;
	_ =	sdelay $0x1  }
0x78: {  	v3 =	vperm.xlane v3, v2;
	v4 =	vadd.s32 v1, v4;
	_ =	sdelay $0x1  }
0x79: {  	v3 =	vadd.s32 v1, v3;
	_ =	sdelay $0x2  }
0x7a: {  	[tilespmem:s21], [sflag:$0x1] =	stream.indirect_vreg.gather [hbm4b:s4+s2], $0x80, v4, vm0, $0xb8;
	[tilespmem:$0x18200] =	vst v63  }
0x7b: {  	_ = 	snop  }
0x7c: {  	[tilespmem:s22], [sflag:$0x1] =	stream.indirect_vreg.gather [hbm4b:s4+s2], $0x80, v3, vm0, $0xb8;
	[tilespmem:$0x18200] =	vst v63  }
0x7d: {  	v3 =	vld [tilespmem:$0x80];
	_ =	sdelay $0x4  }
0x7e: {  	v40 =	vshll.u32 v3, $0x1  }
0x7f: {  	v3 =	vand.u32 $0x7, v3;
	v4 =	vand.u32 $0xFFFFFFF0, v40  }
0x80: {  	v3 =	vor.u32 v3, v4  }
0x81: {  	v4 =	vperm.xlane v3, v0;
	_ =	sdelay $0x1  }
0x82: {  	v3 =	vperm.xlane v3, v2;
	v4 =	vadd.s32 v1, v4;
	_ =	sdelay $0x1  }
0x83: {  	v3 =	vadd.s32 v1, v3;
	_ =	sdelay $0x2  }
0x84: {  	[tilespmem:s23], [sflag:$0x2] =	stream.indirect_vreg.gather [hbm4b:s4+s2], $0x80, v4, vm0, $0xb8;
	[tilespmem:$0x18200] =	vst v63  }
0x85: {  	s25 =	rddreg [dreg:$0x7]  }
0x86: {  	[tilespmem:s25], [sflag:$0x2] =	stream.indirect_vreg.gather [hbm4b:s4+s2], $0x80, v3, vm0, $0xb8;
	[tilespmem:$0x18200] =	vst v63  }
0x87: {  	v3 =	vld [tilespmem:$0x90];
	_ =	sdelay $0x4  }
0x88: {  	v41 =	vshll.u32 v3, $0x1  }
0x89: {  	v3 =	vand.u32 $0x7, v3;
	v4 =	vand.u32 $0xFFFFFFF0, v41  }
0x8a: {  	v3 =	vor.u32 v3, v4  }
0x8b: {  	v4 =	vperm.xlane v3, v0;
	_ =	sdelay $0x1  }
0x8c: {  	v3 =	vperm.xlane v3, v2;
	v4 =	vadd.s32 v1, v4;
	_ =	sdelay $0x1  }
0x8d: {  	v3 =	vadd.s32 v1, v3;
	_ =	sdelay $0x1  }
0x8e: {  	s0 =	rddreg [dreg:$0x8]  }
0x8f: {  	[tilespmem:s0], [sflag:$0x2] =	stream.indirect_vreg.gather [hbm4b:s4+s2], $0x80, v4, vm0, $0xb8;
	[tilespmem:$0x18200] =	vst v63  }
0x90: {  	s25 =	rddreg [dreg:$0x9]  }
0x91: {  	[tilespmem:s25], [sflag:$0x2] =	stream.indirect_vreg.gather [hbm4b:s4+s2], $0x80, v3, vm0, $0xb8;
	[tilespmem:$0x18200] =	vst v63  }
0x92: {  	v3 =	vld [tilespmem:$0xA0];
	_ =	sdelay $0x4  }
0x93: {  	v42 =	vshll.u32 v3, $0x1  }
0x94: {  	v3 =	vand.u32 $0x7, v3;
	v4 =	vand.u32 $0xFFFFFFF0, v42  }
0x95: {  	v3 =	vor.u32 v3, v4  }
0x96: {  	v4 =	vperm.xlane v3, v0;
	_ =	sdelay $0x1  }
0x97: {  	v3 =	vperm.xlane v3, v2;
	v4 =	vadd.s32 v1, v4;
	_ =	sdelay $0x1  }
0x98: {  	v3 =	vadd.s32 v1, v3;
	_ =	sdelay $0x1  }
0x99: {  	s0 =	rddreg [dreg:$0xa]  }
0x9a: {  	[tilespmem:s0], [sflag:$0x2] =	stream.indirect_vreg.gather [hbm4b:s4+s2], $0x80, v4, vm0, $0xb8;
	[tilespmem:$0x18200] =	vst v63  }
0x9b: {  	s25 =	rddreg [dreg:$0xb]  }
0x9c: {  	[tilespmem:s25], [sflag:$0x2] =	stream.indirect_vreg.gather [hbm4b:s4+s2], $0x80, v3, vm0, $0xb8;
	[tilespmem:$0x18200] =	vst v63  }
0x9d: {  	v3 =	vld [tilespmem:$0xB0];
	_ =	sdelay $0x4  }
0x9e: {  	v43 =	vshll.u32 v3, $0x1  }
0x9f: {  	v3 =	vand.u32 $0x7, v3;
	v4 =	vand.u32 $0xFFFFFFF0, v43  }
0xa0: {  	v3 =	vor.u32 v3, v4  }
0xa1: {  	v4 =	vperm.xlane v3, v0;
	_ =	sdelay $0x1  }
0xa2: {  	v3 =	vperm.xlane v3, v2;
	v4 =	vadd.s32 v1, v4;
	_ =	sdelay $0x1  }
0xa3: {  	v3 =	vadd.s32 v1, v3;
	_ =	sdelay $0x1  }
0xa4: {  	s0 =	rddreg [dreg:$0xc]  }
0xa5: {  	[tilespmem:s0], [sflag:$0x2] =	stream.indirect_vreg.gather [hbm4b:s4+s2], $0x80, v4, vm0, $0xb8;
	[tilespmem:$0x18200] =	vst v63  }
0xa6: {  	s25 =	rddreg [dreg:$0xd]  }
0xa7: {  	[tilespmem:s25], [sflag:$0x2] =	stream.indirect_vreg.gather [hbm4b:s4+s2], $0x80, v3, vm0, $0xb8;
	[tilespmem:$0x18200] =	vst v63  }
0xa8: {  	v3 =	vld [tilespmem:$0xC0];
	_ =	sdelay $0x4  }
0xa9: {  	v44 =	vshll.u32 v3, $0x1  }
0xaa: {  	v3 =	vand.u32 $0x7, v3;
	v4 =	vand.u32 $0xFFFFFFF0, v44  }
0xab: {  	v3 =	vor.u32 v3, v4  }
0xac: {  	v4 =	vperm.xlane v3, v0;
	_ =	sdelay $0x1  }
0xad: {  	v3 =	vperm.xlane v3, v2;
	v4 =	vadd.s32 v1, v4;
	_ =	sdelay $0x1  }
0xae: {  	v3 =	vadd.s32 v1, v3;
	_ =	sdelay $0x1  }
0xaf: {  	s0 =	rddreg [dreg:$0xe]  }
0xb0: {  	[tilespmem:s0], [sflag:$0x2] =	stream.indirect_vreg.gather [hbm4b:s4+s2], $0x80, v4, vm0, $0xb8;
	[tilespmem:$0x18200] =	vst v63  }
0xb1: {  	s25 =	rddreg [dreg:$0xf]  }
0xb2: {  	[tilespmem:s25], [sflag:$0x2] =	stream.indirect_vreg.gather [hbm4b:s4+s2], $0x80, v3, vm0, $0xb8;
	[tilespmem:$0x18200] =	vst v63  }
0xb3: {  	v3 =	vld [tilespmem:$0xD0];
	_ =	sdelay $0x4  }
0xb4: {  	v45 =	vshll.u32 v3, $0x1  }
0xb5: {  	v3 =	vand.u32 $0x7, v3;
	v4 =	vand.u32 $0xFFFFFFF0, v45  }
0xb6: {  	v3 =	vor.u32 v3, v4  }
0xb7: {  	v4 =	vperm.xlane v3, v0;
	_ =	sdelay $0x1  }
0xb8: {  	v3 =	vperm.xlane v3, v2;
	v4 =	vadd.s32 v1, v4;
	_ =	sdelay $0x1  }
0xb9: {  	v3 =	vadd.s32 v1, v3;
	_ =	sdelay $0x1  }
0xba: {  	s0 =	rddreg [dreg:$0x10]  }
0xbb: {  	[tilespmem:s0], [sflag:$0x2] =	stream.indirect_vreg.gather [hbm4b:s4+s2], $0x80, v4, vm0, $0xb8;
	[tilespmem:$0x18200] =	vst v63  }
0xbc: {  	s25 =	rddreg [dreg:$0x11]  }
0xbd: {  	[tilespmem:s25], [sflag:$0x2] =	stream.indirect_vreg.gather [hbm4b:s4+s2], $0x80, v3, vm0, $0xb8;
	[tilespmem:$0x18200] =	vst v63  }
0xbe: {  	v3 =	vld [tilespmem:$0xE0];
	_ =	sdelay $0x4  }
0xbf: {  	v46 =	vshll.u32 v3, $0x1  }
0xc0: {  	v3 =	vand.u32 $0x7, v3;
	v4 =	vand.u32 $0xFFFFFFF0, v46  }
0xc1: {  	v3 =	vor.u32 v3, v4  }
0xc2: {  	v4 =	vperm.xlane v3, v0;
	_ =	sdelay $0x1  }
0xc3: {  	v3 =	vperm.xlane v3, v2;
	v4 =	vadd.s32 v1, v4;
	_ =	sdelay $0x1  }
0xc4: {  	v3 =	vadd.s32 v1, v3;
	_ =	sdelay $0x1  }
0xc5: {  	s0 =	rddreg [dreg:$0x12]  }
0xc6: {  	[tilespmem:s0], [sflag:$0x2] =	stream.indirect_vreg.gather [hbm4b:s4+s2], $0x80, v4, vm0, $0xb8;
	[tilespmem:$0x18200] =	vst v63  }
0xc7: {  	s25 =	rddreg [dreg:$0x13]  }
0xc8: {  	[tilespmem:s25], [sflag:$0x2] =	stream.indirect_vreg.gather [hbm4b:s4+s2], $0x80, v3, vm0, $0xb8;
	[tilespmem:$0x18200] =	vst v63  }
0xc9: {  	v3 =	vld [tilespmem:$0xF0];
	_ =	sdelay $0x4  }
0xca: {  	v47 =	vshll.u32 v3, $0x1  }
0xcb: {  	v3 =	vand.u32 $0x7, v3;
	v4 =	vand.u32 $0xFFFFFFF0, v47  }
0xcc: {  	v3 =	vor.u32 v3, v4  }
0xcd: {  	v4 =	vperm.xlane v3, v0;
	_ =	sdelay $0x1  }
0xce: {  	v3 =	vperm.xlane v3, v2;
	v4 =	vadd.s32 v1, v4;
	_ =	sdelay $0x1  }
0xcf: {  	v3 =	vadd.s32 v1, v3;
	_ =	sdelay $0x1  }
0xd0: {  	s0 =	rddreg [dreg:$0x14]  }
0xd1: {  	[tilespmem:s0], [sflag:$0x2] =	stream.indirect_vreg.gather [hbm4b:s4+s2], $0x80, v4, vm0, $0xb8;
	[tilespmem:$0x18200] =	vst v63  }
0xd2: {  	s25 =	rddreg [dreg:$0x15]  }
0xd3: {  	[tilespmem:s25], [sflag:$0x2] =	stream.indirect_vreg.gather [hbm4b:s4+s2], $0x80, v3, vm0, $0xb8;
	[tilespmem:$0x18200] =	vst v63  }
0xd4: {  	v3 =	vld [tilespmem:$0x100];
	_ =	sdelay $0x4  }
0xd5: {  	v48 =	vshll.u32 v3, $0x1  }
0xd6: {  	v3 =	vand.u32 $0x7, v3;
	v4 =	vand.u32 $0xFFFFFFF0, v48  }
0xd7: {  	v3 =	vor.u32 v3, v4  }
0xd8: {  	v4 =	vperm.xlane v3, v0;
	_ =	sdelay $0x1  }
0xd9: {  	v3 =	vperm.xlane v3, v2;
	v4 =	vadd.s32 v1, v4;
	_ =	sdelay $0x1  }
0xda: {  	v3 =	vadd.s32 v1, v3;
	_ =	sdelay $0x2  }
0xdb: {  	[tilespmem:s24], [sflag:$0x3] =	stream.indirect_vreg.gather [hbm4b:s4+s2], $0x80, v4, vm0, $0xb8;
	[tilespmem:$0x18200] =	vst v63  }
0xdc: {  	s25 =	rddreg [dreg:$0x16]  }
0xdd: {  	[tilespmem:s25], [sflag:$0x3] =	stream.indirect_vreg.gather [hbm4b:s4+s2], $0x80, v3, vm0, $0xb8;
	[tilespmem:$0x18200] =	vst v63  }
0xde: {  	v3 =	vld [tilespmem:$0x110];
	_ =	sdelay $0x4  }
0xdf: {  	v49 =	vshll.u32 v3, $0x1  }
0xe0: {  	v3 =	vand.u32 $0x7, v3;
	v4 =	vand.u32 $0xFFFFFFF0, v49  }
0xe1: {  	v3 =	vor.u32 v3, v4  }
0xe2: {  	v4 =	vperm.xlane v3, v0;
	_ =	sdelay $0x1  }
0xe3: {  	v3 =	vperm.xlane v3, v2;
	v4 =	vadd.s32 v1, v4;
	_ =	sdelay $0x1  }
0xe4: {  	v3 =	vadd.s32 v1, v3;
	_ =	sdelay $0x1  }
0xe5: {  	s0 =	rddreg [dreg:$0x17]  }
0xe6: {  	[tilespmem:s0], [sflag:$0x3] =	stream.indirect_vreg.gather [hbm4b:s4+s2], $0x80, v4, vm0, $0xb8;
	[tilespmem:$0x18200] =	vst v63  }
0xe7: {  	s25 =	rddreg [dreg:$0x18]  }
0xe8: {  	[tilespmem:s25], [sflag:$0x3] =	stream.indirect_vreg.gather [hbm4b:s4+s2], $0x80, v3, vm0, $0xb8;
	[tilespmem:$0x18200] =	vst v63  }
0xe9: {  	v3 =	vld [tilespmem:$0x120];
	_ =	sdelay $0x4  }
0xea: {  	v50 =	vshll.u32 v3, $0x1  }
0xeb: {  	v3 =	vand.u32 $0x7, v3;
	v4 =	vand.u32 $0xFFFFFFF0, v50  }
0xec: {  	v3 =	vor.u32 v3, v4  }
0xed: {  	v4 =	vperm.xlane v3, v0;
	_ =	sdelay $0x1  }
0xee: {  	v3 =	vperm.xlane v3, v2;
	v4 =	vadd.s32 v1, v4;
	_ =	sdelay $0x1  }
0xef: {  	v3 =	vadd.s32 v1, v3;
	_ =	sdelay $0x1  }
0xf0: {  	s0 =	rddreg [dreg:$0x19]  }
0xf1: {  	[tilespmem:s0], [sflag:$0x3] =	stream.indirect_vreg.gather [hbm4b:s4+s2], $0x80, v4, vm0, $0xb8;
	[tilespmem:$0x18200] =	vst v63  }
0xf2: {  	s25 =	rddreg [dreg:$0x1a]  }
0xf3: {  	[tilespmem:s25], [sflag:$0x3] =	stream.indirect_vreg.gather [hbm4b:s4+s2], $0x80, v3, vm0, $0xb8;
	[tilespmem:$0x18200] =	vst v63  }
0xf4: {  	v3 =	vld [tilespmem:$0x130];
	_ =	sdelay $0x4  }
0xf5: {  	v51 =	vshll.u32 v3, $0x1  }
0xf6: {  	v3 =	vand.u32 $0x7, v3;
	v4 =	vand.u32 $0xFFFFFFF0, v51  }
0xf7: {  	v3 =	vor.u32 v3, v4  }
0xf8: {  	v4 =	vperm.xlane v3, v0;
	_ =	sdelay $0x1  }
0xf9: {  	v3 =	vperm.xlane v3, v2;
	v4 =	vadd.s32 v1, v4;
	_ =	sdelay $0x1  }
0xfa: {  	v3 =	vadd.s32 v1, v3;
	_ =	sdelay $0x1  }
0xfb: {  	s0 =	rddreg [dreg:$0x1b]  }
0xfc: {  	[tilespmem:s0], [sflag:$0x3] =	stream.indirect_vreg.gather [hbm4b:s4+s2], $0x80, v4, vm0, $0xb8;
	[tilespmem:$0x18200] =	vst v63  }
0xfd: {  	s25 =	rddreg [dreg:$0x1c]  }
0xfe: {  	[tilespmem:s25], [sflag:$0x3] =	stream.indirect_vreg.gather [hbm4b:s4+s2], $0x80, v3, vm0, $0xb8;
	[tilespmem:$0x18200] =	vst v63  }
0xff: {  	v3 =	vld [tilespmem:$0x140];
	_ =	sdelay $0x4  }
0x100: {  	v52 =	vshll.u32 v3, $0x1  }
0x101: {  	v3 =	vand.u32 $0x7, v3;
	v4 =	vand.u32 $0xFFFFFFF0, v52  }
0x102: {  	v3 =	vor.u32 v3, v4  }
0x103: {  	v4 =	vperm.xlane v3, v0;
	_ =	sdelay $0x1  }
0x104: {  	v3 =	vperm.xlane v3, v2;
	v4 =	vadd.s32 v1, v4;
	_ =	sdelay $0x1  }
0x105: {  	v3 =	vadd.s32 v1, v3;
	_ =	sdelay $0x1  }
0x106: {  	s0 =	rddreg [dreg:$0x1d]  }
0x107: {  	[tilespmem:s0], [sflag:$0x3] =	stream.indirect_vreg.gather [hbm4b:s4+s2], $0x80, v4, vm0, $0xb8;
	[tilespmem:$0x18200] =	vst v63  }
0x108: {  	s25 =	rddreg [dreg:$0x1e]  }
0x109: {  	[tilespmem:s25], [sflag:$0x3] =	stream.indirect_vreg.gather [hbm4b:s4+s2], $0x80, v3, vm0, $0xb8;
	[tilespmem:$0x18200] =	vst v63  }
0x10a: {  	v3 =	vld [tilespmem:$0x150];
	_ =	sdelay $0x4  }
0x10b: {  	v53 =	vshll.u32 v3, $0x1  }
0x10c: {  	v3 =	vand.u32 $0x7, v3;
	v4 =	vand.u32 $0xFFFFFFF0, v53  }
0x10d: {  	v3 =	vor.u32 v3, v4  }
0x10e: {  	v4 =	vperm.xlane v3, v0;
	_ =	sdelay $0x1  }
0x10f: {  	v3 =	vperm.xlane v3, v2;
	v4 =	vadd.s32 v1, v4;
	_ =	sdelay $0x1  }
0x110: {  	v3 =	vadd.s32 v1, v3  }
0x111: {  	s0 =	rddreg [dreg:$0x1f]  }
0x112: {  	s25 =	sld [smem:$0x7FA]  }
0x113: {  	[tilespmem:s0], [sflag:$0x3] =	stream.indirect_vreg.gather [hbm4b:s4+s2], $0x80, v4, vm0, $0xb8;
	[tilespmem:$0x18200] =	vst v63  }
0x114: {  	_ = 	snop  }
0x115: {  	[tilespmem:s25], [sflag:$0x3] =	stream.indirect_vreg.gather [hbm4b:s4+s2], $0x80, v3, vm0, $0xb8;
	[tilespmem:$0x18200] =	vst v63  }
0x116: {  	v3 =	vld [tilespmem:$0x160];
	_ =	sdelay $0x4  }
0x117: {  	v54 =	vshll.u32 v3, $0x1  }
0x118: {  	v3 =	vand.u32 $0x7, v3;
	v4 =	vand.u32 $0xFFFFFFF0, v54  }
0x119: {  	v3 =	vor.u32 v3, v4  }
0x11a: {  	v4 =	vperm.xlane v3, v0;
	_ =	sdelay $0x1  }
0x11b: {  	v3 =	vperm.xlane v3, v2;
	v4 =	vadd.s32 v1, v4;
	_ =	sdelay $0x1  }
0x11c: {  	s0 =	sld [smem:$0x7FB];
	v3 =	vadd.s32 v1, v3;
	_ =	sdelay $0x1  }
0x11d: {  	s25 =	sld [smem:$0x7FC]  }
0x11e: {  	[tilespmem:s0], [sflag:$0x3] =	stream.indirect_vreg.gather [hbm4b:s4+s2], $0x80, v4, vm0, $0xb8;
	[tilespmem:$0x18200] =	vst v63  }
0x11f: {  	_ = 	snop  }
0x120: {  	[tilespmem:s25], [sflag:$0x3] =	stream.indirect_vreg.gather [hbm4b:s4+s2], $0x80, v3, vm0, $0xb8;
	[tilespmem:$0x18200] =	vst v63  }
0x121: {  	v3 =	vld [tilespmem:$0x170];
	_ =	sdelay $0x4  }
0x122: {  	v55 =	vshll.u32 v3, $0x1  }
0x123: {  	v3 =	vand.u32 $0x7, v3;
	v4 =	vand.u32 $0xFFFFFFF0, v55  }
0x124: {  	v3 =	vor.u32 v3, v4  }
0x125: {  	v4 =	vperm.xlane v3, v0;
	_ =	sdelay $0x1  }
0x126: {  	v3 =	vperm.xlane v3, v2;
	v4 =	vadd.s32 v1, v4;
	_ =	sdelay $0x1  }
0x127: {  	s25 =	sld [smem:$0x7FD];
	v3 =	vadd.s32 v1, v3;
	_ =	sdelay $0x2  }
0x128: {  	[tilespmem:s25], [sflag:$0x3] =	stream.indirect_vreg.gather [hbm4b:s4+s2], $0x80, v4, vm0, $0xb8;
	[tilespmem:$0x18200] =	vst v63  }
0x129: {  	s25 =	simm.s32 $0x17A00  }
0x12a: {  	[tilespmem:s25], [sflag:$0x3] =	stream.indirect_vreg.gather [hbm4b:s4+s2], $0x80, v3, vm0, $0xb8;
	[tilespmem:$0x18200] =	vst v63  }
0x12b: {  	_ =	swait.ge [sflag:s26], $0x8000  }
0x12c: {  	[sflag:s26] =	ssyncset.done $0x0  }
0x12d: {  	[sflag:s26] =	ssyncadd.s32 $0xFFFF8000  }
0x12e: {  	[hbm4b:s3+s2] =	stream.linear.scatter [tilespmem:s7], [sflag:$0x4], $0x8000, $0x38;
	[tilespmem:$0x18200] =	vst v63  }
0x12f: {  	_ =	swait.ge [sflag:s28], $0x8000  }
0x130: {  	[sflag:s28] =	ssyncset.done $0x0  }
0x131: {  	[sflag:s28] =	ssyncadd.s32 $0xFFFF8000  }
0x132: {  	v3 =	vld [tilespmem:$0x180];
	_ =	sdelay $0x4  }
0x133: {  	v56 =	vshll.u32 v3, $0x1  }
0x134: {  	v3 =	vand.u32 $0x7, v3;
	v4 =	vand.u32 $0xFFFFFFF0, v56  }
0x135: {  	v3 =	vor.u32 v3, v4  }
0x136: {  	v4 =	vperm.xlane v3, v0;
	_ =	sdelay $0x1  }
0x137: {  	v3 =	vperm.xlane v3, v2;
	v4 =	vadd.s32 v1, v4;
	_ =	sdelay $0x1  }
0x138: {  	v3 =	vadd.s32 v1, v3;
	_ =	sdelay $0x2  }
0x139: {  	[tilespmem:s7], [sflag:$0x1] =	stream.indirect_vreg.gather [hbm4b:s4+s2], $0x80, v4, vm0, $0xb8;
	[tilespmem:$0x18200] =	vst v63  }
0x13a: {  	_ = 	snop  }
0x13b: {  	[tilespmem:s8], [sflag:$0x1] =	stream.indirect_vreg.gather [hbm4b:s4+s2], $0x80, v3, vm0, $0xb8;
	[tilespmem:$0x18200] =	vst v63  }
0x13c: {  	v3 =	vld [tilespmem:$0x190];
	_ =	sdelay $0x4  }
0x13d: {  	v57 =	vshll.u32 v3, $0x1  }
0x13e: {  	v3 =	vand.u32 $0x7, v3;
	v4 =	vand.u32 $0xFFFFFFF0, v57  }
0x13f: {  	v3 =	vor.u32 v3, v4  }
0x140: {  	v4 =	vperm.xlane v3, v0;
	_ =	sdelay $0x1  }
0x141: {  	v3 =	vperm.xlane v3, v2;
	v4 =	vadd.s32 v1, v4;
	_ =	sdelay $0x1  }
0x142: {  	v3 =	vadd.s32 v1, v3;
	_ =	sdelay $0x2  }
0x143: {  	[tilespmem:s9], [sflag:$0x1] =	stream.indirect_vreg.gather [hbm4b:s4+s2], $0x80, v4, vm0, $0xb8;
	[tilespmem:$0x18200] =	vst v63  }
0x144: {  	_ = 	snop  }
0x145: {  	[tilespmem:s10], [sflag:$0x1] =	stream.indirect_vreg.gather [hbm4b:s4+s2], $0x80, v3, vm0, $0xb8;
	[tilespmem:$0x18200] =	vst v63  }
0x146: {  	v3 =	vld [tilespmem:$0x1A0];
	_ =	sdelay $0x4  }
0x147: {  	v58 =	vshll.u32 v3, $0x1  }
0x148: {  	v3 =	vand.u32 $0x7, v3;
	v4 =	vand.u32 $0xFFFFFFF0, v58  }
0x149: {  	v3 =	vor.u32 v3, v4  }
0x14a: {  	v4 =	vperm.xlane v3, v0;
	_ =	sdelay $0x1  }
0x14b: {  	v3 =	vperm.xlane v3, v2;
	v4 =	vadd.s32 v1, v4;
	_ =	sdelay $0x1  }
0x14c: {  	v3 =	vadd.s32 v1, v3;
	_ =	sdelay $0x2  }
0x14d: {  	[tilespmem:s11], [sflag:$0x1] =	stream.indirect_vreg.gather [hbm4b:s4+s2], $0x80, v4, vm0, $0xb8;
	[tilespmem:$0x18200] =	vst v63  }
0x14e: {  	_ = 	snop  }
0x14f: {  	[tilespmem:s12], [sflag:$0x1] =	stream.indirect_vreg.gather [hbm4b:s4+s2], $0x80, v3, vm0, $0xb8;
	[tilespmem:$0x18200] =	vst v63  }
0x150: {  	v3 =	vld [tilespmem:$0x1B0];
	_ =	sdelay $0x4  }
0x151: {  	v59 =	vshll.u32 v3, $0x1  }
0x152: {  	v3 =	vand.u32 $0x7, v3;
	v4 =	vand.u32 $0xFFFFFFF0, v59  }
0x153: {  	v3 =	vor.u32 v3, v4  }
0x154: {  	v4 =	vperm.xlane v3, v0;
	_ =	sdelay $0x1  }
0x155: {  	v3 =	vperm.xlane v3, v2;
	v4 =	vadd.s32 v1, v4;
	_ =	sdelay $0x1  }
0x156: {  	v3 =	vadd.s32 v1, v3;
	_ =	sdelay $0x2  }
0x157: {  	[tilespmem:s13], [sflag:$0x1] =	stream.indirect_vreg.gather [hbm4b:s4+s2], $0x80, v4, vm0, $0xb8;
	[tilespmem:$0x18200] =	vst v63  }
0x158: {  	_ = 	snop  }
0x159: {  	[tilespmem:s14], [sflag:$0x1] =	stream.indirect_vreg.gather [hbm4b:s4+s2], $0x80, v3, vm0, $0xb8;
	[tilespmem:$0x18200] =	vst v63  }
0x15a: {  	v3 =	vld [tilespmem:$0x1C0];
	_ =	sdelay $0x4  }
0x15b: {  	v60 =	vshll.u32 v3, $0x1  }
0x15c: {  	v3 =	vand.u32 $0x7, v3;
	v4 =	vand.u32 $0xFFFFFFF0, v60  }
0x15d: {  	v3 =	vor.u32 v3, v4  }
0x15e: {  	v4 =	vperm.xlane v3, v0;
	_ =	sdelay $0x1  }
0x15f: {  	v3 =	vperm.xlane v3, v2;
	v4 =	vadd.s32 v1, v4;
	_ =	sdelay $0x1  }
0x160: {  	v3 =	vadd.s32 v1, v3;
	_ =	sdelay $0x2  }
0x161: {  	[tilespmem:s15], [sflag:$0x1] =	stream.indirect_vreg.gather [hbm4b:s4+s2], $0x80, v4, vm0, $0xb8;
	[tilespmem:$0x18200] =	vst v63  }
0x162: {  	_ = 	snop  }
0x163: {  	[tilespmem:s16], [sflag:$0x1] =	stream.indirect_vreg.gather [hbm4b:s4+s2], $0x80, v3, vm0, $0xb8;
	[tilespmem:$0x18200] =	vst v63  }
0x164: {  	v3 =	vld [tilespmem:$0x1D0];
	_ =	sdelay $0x4  }
0x165: {  	v61 =	vshll.u32 v3, $0x1  }
0x166: {  	v3 =	vand.u32 $0x7, v3;
	v4 =	vand.u32 $0xFFFFFFF0, v61  }
0x167: {  	v3 =	vor.u32 v3, v4  }
0x168: {  	v4 =	vperm.xlane v3, v0;
	_ =	sdelay $0x1  }
0x169: {  	v3 =	vperm.xlane v3, v2;
	v4 =	vadd.s32 v1, v4;
	_ =	sdelay $0x1  }
0x16a: {  	v3 =	vadd.s32 v1, v3;
	_ =	sdelay $0x2  }
0x16b: {  	[tilespmem:s17], [sflag:$0x1] =	stream.indirect_vreg.gather [hbm4b:s4+s2], $0x80, v4, vm0, $0xb8;
	[tilespmem:$0x18200] =	vst v63  }
0x16c: {  	_ = 	snop  }
0x16d: {  	[tilespmem:s18], [sflag:$0x1] =	stream.indirect_vreg.gather [hbm4b:s4+s2], $0x80, v3, vm0, $0xb8;
	[tilespmem:$0x18200] =	vst v63  }
0x16e: {  	v3 =	vld [tilespmem:$0x1E0];
	_ =	sdelay $0x4  }
0x16f: {  	v62 =	vshll.u32 v3, $0x1  }
0x170: {  	v3 =	vand.u32 $0x7, v3;
	v4 =	vand.u32 $0xFFFFFFF0, v62  }
0x171: {  	v3 =	vor.u32 v3, v4  }
0x172: {  	v4 =	vperm.xlane v3, v0;
	_ =	sdelay $0x1  }
0x173: {  	v3 =	vperm.xlane v3, v2;
	v4 =	vadd.s32 v1, v4;
	_ =	sdelay $0x1  }
0x174: {  	v3 =	vadd.s32 v1, v3;
	_ =	sdelay $0x2  }
0x175: {  	[tilespmem:s19], [sflag:$0x1] =	stream.indirect_vreg.gather [hbm4b:s4+s2], $0x80, v4, vm0, $0xb8;
	[tilespmem:$0x18200] =	vst v63  }
0x176: {  	_ = 	snop  }
0x177: {  	[tilespmem:s20], [sflag:$0x1] =	stream.indirect_vreg.gather [hbm4b:s4+s2], $0x80, v3, vm0, $0xb8;
	[tilespmem:$0x18200] =	vst v63  }
0x178: {  	v3 =	vld [tilespmem:$0x1F0];
	_ =	sdelay $0x4  }
0x179: {  	v63 =	vshll.u32 v3, $0x1  }
0x17a: {  	v3 =	vand.u32 $0x7, v3;
	v4 =	vand.u32 $0xFFFFFFF0, v63  }
0x17b: {  	v3 =	vor.u32 v3, v4  }
0x17c: {  	v4 =	vperm.xlane v3, v0;
	_ =	sdelay $0x1  }
0x17d: {  	v3 =	vperm.xlane v3, v2;
	v4 =	vadd.s32 v1, v4;
	_ =	sdelay $0x1  }
0x17e: {  	v3 =	vadd.s32 v1, v3;
	_ =	sdelay $0x2  }
0x17f: {  	[tilespmem:s21], [sflag:$0x1] =	stream.indirect_vreg.gather [hbm4b:s4+s2], $0x80, v4, vm0, $0xb8;
	[tilespmem:$0x18200] =	vst v63  }
0x180: {  	_ = 	snop  }
0x181: {  	[tilespmem:s22], [sflag:$0x1] =	stream.indirect_vreg.gather [hbm4b:s4+s2], $0x80, v3, vm0, $0xb8;
	[tilespmem:$0x18200] =	vst v63  }
0x182: {  	_ =	swait.ge [sflag:s29], $0x8000  }
0x183: {  	[sflag:s29] =	ssyncset.done $0x0  }
0x184: {  	s25 =	rddreg [dreg:$0x4];
	[sflag:s29] =	ssyncadd.s32 $0xFFFF8000  }
0x185: {  	[hbm4b:s25+s2] =	stream.linear.scatter [tilespmem:s23], [sflag:$0x5], $0x8000, $0x38;
	[tilespmem:$0x18200] =	vst v63  }
0x186: {  	_ =	swait.ge [sflag:s30], $0x8000  }
0x187: {  	[sflag:s30] =	ssyncset.done $0x0  }
0x188: {  	s25 =	rddreg [dreg:$0x5];
	[sflag:s30] =	ssyncadd.s32 $0xFFFF8000  }
0x189: {  	[hbm4b:s25+s2] =	stream.linear.scatter [tilespmem:s24], [sflag:$0x6], $0x8000, $0x38;
	[tilespmem:$0x18200] =	vst v63  }
0x18a: {  	_ =	swait.ge [sflag:s26], $0x8000  }
0x18b: {  	[sflag:s26] =	ssyncset.done $0x0  }
0x18c: {  	s25 =	rddreg [dreg:$0x6];
	[sflag:s26] =	ssyncadd.s32 $0xFFFF8000  }
0x18d: {  	[hbm4b:s25+s2] =	stream.linear.scatter [tilespmem:s7], [sflag:$0x4], $0x8000, $0x38;
	[tilespmem:$0x18200] =	vst v63  }
0x18e: {  	_ =	swait.ge [sflag:s31], $0x8000  }
0x18f: {  	[sflag:s31] =	ssyncset.done $0x0  }
0x190: {  	[sflag:s31] =	ssyncadd.s32 $0xFFFF8000  }
0x191: {  	p0 =	sne.s32 s5, $0x1;
	_ =	swait.ge [sflag:s1], $0x8000  }
.Ltmp0:
0x192: {  	[sflag:s1] =	ssyncset.done $0x0;
	(pc) =	sbr.rel @p0 .LBB2_1-.Ltmp0, $4  }
0x193: {  	[sflag:s1] =	ssyncadd.s32 $0xFFFF8000  }
0x194: {  	_ =	swait.ge [sflag:s28], $0x8000  }
0x195: {  	[sflag:s28] =	ssyncset.done $0x0  }
0x196: {  	s5 =	sadd.s32 $0xFFFFFFFF, s5;
	[sflag:s28] =	ssyncadd.s32 $0xFFFF8000  }
0x197: {  	_ =	sfence.sel $0x180000  }
0x198: {  	[bflag:$0x0] =	sbarrier.arrive $0xFFFF  }
0x199: {  	_ =	strace $0x90000047  }
0x19a: {  	s0 =	stileid.u32;
	[bflag:$0x2] =	sbarrier.arrive $0xFFFF  }
0x19b: {  	p0 =	sne.s32 s0, $0x0;
	s0 =	rddreg [dreg:$0x2]  }
0x19c: {  	s0 =	sadd.s32 @!p0 $0x100000, s0  }
0x19d: {  	[sflag:s0] =	ssyncadd.tile.s32 @!p0 $0x1;
	_ =	shalt  }
.Lfunc_end2:
_tile_overlayer_lowered:
.L_overlay_start_2:
0x19e: {  	(tag) =	ssettag $0x2  }
0x19f: {  	s0 =	rddreg [dreg:$0x0];
	s2 =	stileid.u32  }
0x1a0: {  	s1 =	rddreg [dreg:$0x1];
	p0 =	sne.s32 s2, $0x0  }
0x1a1: {  	s3 =	rddreg [dreg:$0x2];
	[bflag:$0x3] =	sbarrier.arrive $0xFFFF;
	s2 =	simm.s32 @!p0 $0x1C07  }
0x1a2: {  	[timem:s3], [sflag:s2] =	dma.local @!p0 [hbm:s0], s1  }
0x1a3: {  	s0 =	simm.s32 @!p0 $0x7  }
0x1a4: {  	_ =	swait.ge @!p0 [sflag:s0], s1  }
0x1a5: {  	s1 =	ssub.s32 @!p0 $0x0, s1;
	[sflag:s0] =	ssyncset.done @!p0 $0x0  }
0x1a6: {  	[sflag:s0] =	ssyncadd.s32 @!p0 s1  }
0x1a7: {  	[bflag:$0x3] =	sbarrier.arrive $0xFFFF  }
0x1a8: {  	_ =	shalt  }

</sc_bundles>
